<compile_context>
chip_gen: v7x
topology: tpu7x:2x2x1
jax: 0.10.2.dev20260603
libtpu: 0.0.44.dev20260713+nightly
codegen_flags: <defaults>
</compile_context>

<pallas_src>
import functools
import math

import numpy as np
import jax
import jax.numpy as jnp
from jax import lax
from jax.experimental import pallas as pl
from jax.experimental.pallas import tpu as pltpu
from jax.experimental.pallas import tpu_sc as plsc

NUM_HEADS = 16
HEAD_DIM = 64
NUM_BUCKETS = 320
MAX_DISTANCE = 800
T = 2048
VLEN = 2 * T + 16
VROW = 2 * T
NSHIFT = 8
L = 16

QROWS = NUM_HEADS * T
QCHUNK = 128
ROWS_PER_WORKER = T // 2


def _bucket_vector() -> np.ndarray:
    d = np.arange(VLEN, dtype=np.int64) - (T - 1)
    half = NUM_BUCKETS // 2
    threshold = half // 2
    sign = (d >= 0).astype(np.int64)
    a = np.abs(d)
    log_ratio = np.log(np.clip(a.astype(np.float32), 1.0, None) / np.float32(threshold)) \
        / np.float32(math.log(MAX_DISTANCE / threshold))
    log_pos = np.minimum(
        (np.float32(threshold) + log_ratio * np.float32(half - threshold)).astype(np.int64),
        half - 1)
    b = np.where(a < threshold, a, log_pos) + sign * half
    b = np.clip(b, 0, NUM_BUCKETS - 1).astype(np.int32)
    b[2 * T - 1:] = b[2 * T - 2]
    return b


_BUCKETS = _bucket_vector()


def _sc_body(tab_hbm, b_hbm, g_hbm, out_hbm,
             tabv, bvec, gvec, vvec, stageA, stageB, dsemA, dsemB):
    c = lax.axis_index("c")
    s = lax.axis_index("s")
    h = s
    lanes = jnp.arange(L, dtype=jnp.int32)

    pltpu.sync_copy(tab_hbm, tabv)
    pltpu.sync_copy(b_hbm, bvec)
    pltpu.sync_copy(g_hbm, gvec)
    one_plus_g = plsc.load_gather(gvec, [jnp.full((L,), h, jnp.int32)])

    def v_body(i, _):
        m = i * L
        bidx = bvec[pl.ds(m, L)]
        vvec[pl.ds(m, L)] = plsc.load_gather(tabv, [bidx * NUM_HEADS + h]) * one_plus_g
        return 0

    lax.fori_loop(0, VROW // L, v_body, 0)

    row0 = c * ROWS_PER_WORKER

    def build_and_issue(stage, sem, rb):
        obase = (T - 1) - rb
        base = lanes + obase

        idxs = tuple(base - k for k in range(NSHIFT))
        vals = tuple(plsc.load_gather(vvec, [idxs[k]]) for k in range(NSHIFT))

        def t_body(t, carry):
            idxs, vals = carry
            new_idxs = tuple(idxs[k] + L for k in range(NSHIFT))
            new_vals = tuple(
                plsc.load_gather(vvec, [new_idxs[k]]) for k in range(NSHIFT))
            col = t * L
            for k in range(NSHIFT):
                stage[k, pl.ds(col, L)] = vals[k]
            return (new_idxs, new_vals)

        lax.fori_loop(0, T // L, t_body, (idxs, vals))

        pltpu.async_copy(
            stage,
            out_hbm.at[0, h, pl.ds(pl.multiple_of(rb, 8), NSHIFT), :],
            sem)

    def drain(stage, sem):
        pltpu.make_async_copy(
            stage, out_hbm.at[0, 0, pl.ds(0, NSHIFT), :], sem).wait()

    def pair_body(p, _):
        rbA = row0 + p * 2 * NSHIFT

        @pl.when(p > 0)
        def _():
            drain(stageA, dsemA)

        build_and_issue(stageA, dsemA, rbA)

        @pl.when(p > 0)
        def _():
            drain(stageB, dsemB)

        build_and_issue(stageB, dsemB, rbA + NSHIFT)
        return 0

    lax.fori_loop(0, ROWS_PER_WORKER // (2 * NSHIFT), pair_body, 0)
    drain(stageA, dsemA)
    drain(stageB, dsemB)


def _gate_body(q_ref, wur_ref, wi_ref, scale_ref, out_ref):
    gm = jnp.mean(q_ref[0], axis=(0, 1))
    gr = 1.0 / (1.0 + jnp.exp(-(wur_ref[...] @ gm)))
    gu = 1.0 / (1.0 + jnp.exp(-(wi_ref[...] @ gm)))
    out_ref[...] = 1.0 + gu * scale_ref[...] * gr


@jax.jit
def _run(q, tabf, wur, wi, scale, bconst):
    one_plus_g = pl.pallas_call(
        _gate_body,
        out_shape=jax.ShapeDtypeStruct((NUM_HEADS,), jnp.float32),
    )(q, wur, wi, scale)

    mesh = plsc.VectorSubcoreMesh(core_axis_name="c", subcore_axis_name="s")
    kfn = functools.partial(
        pl.kernel,
        mesh=mesh,
        compiler_params=pltpu.CompilerParams(needs_layout_passes=False),
        out_type=jax.ShapeDtypeStruct((1, NUM_HEADS, T, T), jnp.float32),
        scratch_types=[
            pltpu.VMEM((NUM_BUCKETS * NUM_HEADS,), jnp.float32),
            pltpu.VMEM((VLEN,), jnp.int32),
            pltpu.VMEM((NUM_HEADS,), jnp.float32),
            pltpu.VMEM((VROW + 48,), jnp.float32),
            pltpu.VMEM((NSHIFT, T), jnp.float32),
            pltpu.VMEM((NSHIFT, T), jnp.float32),
            pltpu.SemaphoreType.DMA,
            pltpu.SemaphoreType.DMA,
        ],
    )(_sc_body)
    return kfn(tabf, bconst, one_plus_g)


def kernel(q, rel_pos_table, W_ur, W_i, scale, seq_len):
    tabf = rel_pos_table.reshape(-1)
    bconst = jnp.asarray(_BUCKETS)
    return _run(q, tabf, W_ur, W_i, scale, bconst)

# --- scband reference (transcript-rebuilt; emitter-appended) ---
"""Pipeline reference for scband-gated-relative-position-bias-50903952392440 (READ-ONLY COPY).

The authoritative reference and input builder live on the scoring server;
editing this copy changes nothing except your own understanding.
"""

import math
import jax, jax.numpy as jnp
import numpy as np

NUM_HEADS = 16
HEAD_DIM = 64
NUM_BUCKETS = 320
MAX_DISTANCE = 800


def _relative_position_bucket(relative_position, num_buckets=NUM_BUCKETS, max_distance=MAX_DISTANCE):
    half = num_buckets // 2
    sign = (relative_position >= 0).astype(jnp.int32)
    abs_pos = jnp.abs(relative_position)
    threshold = half // 2
    is_small = abs_pos < threshold
    log_ratio = jnp.log(jnp.clip(abs_pos.astype(jnp.float32), 1.0, None) / threshold) / math.log(max_distance / threshold)
    log_pos = jnp.clip((threshold + log_ratio * (half - threshold)).astype(jnp.int32), None, half - 1)
    bucket = jnp.where(is_small, abs_pos, log_pos) + sign * half
    return jnp.clip(bucket, 0, num_buckets - 1)


def setup_inputs(seed: int = 0) -> dict:
    key = jax.random.key(seed)
    k_q, k_tab, k_ur, k_i = jax.random.split(key, 4)
    B, H, T, D = 1, NUM_HEADS, 2048, HEAD_DIM
    q = jax.random.normal(k_q, (B, H, T, D), dtype=jnp.float32)
    # nn.Embedding default init: N(0, 1)
    rel_pos_table = jax.random.normal(k_tab, (NUM_BUCKETS, NUM_HEADS), dtype=jnp.float32)
    # xavier_uniform with gain=0.1 for Linear weights of shape [out=H, in=D]
    limit = 0.1 * math.sqrt(6.0 / (NUM_HEADS + HEAD_DIM))
    W_ur = jax.random.uniform(k_ur, (NUM_HEADS, HEAD_DIM), dtype=jnp.float32, minval=-limit, maxval=limit)
    W_i = jax.random.uniform(k_i, (NUM_HEADS, HEAD_DIM), dtype=jnp.float32, minval=-limit, maxval=limit)
    scale = jnp.ones((NUM_HEADS,), dtype=jnp.float32)
    return {"q": q, "rel_pos_table": rel_pos_table, "W_ur": W_ur, "W_i": W_i, "scale": scale, "seq_len": 2048}


def reference(q, rel_pos_table, W_ur, W_i, scale, seq_len):
    B, H, T, D = q.shape
    positions = jnp.arange(T) + 0 * seq_len
    rel_pos = positions[None, :] - positions[:, None]  # [S, S]
    buckets = _relative_position_bucket(rel_pos)  # [S, S]
    # embedding lookup: [S, S] -> [S, S, H]
    pos_embed = jnp.take(rel_pos_table, buckets, axis=0)
    pos_embed = jnp.transpose(pos_embed, (2, 0, 1))[None, ...]  # [1, H, S, S]
    q_mean = jnp.transpose(q.mean(axis=2), (0, 2, 1))  # [B, D, H]
    gm = q_mean.mean(axis=-1)  # [B, D]
    gate_r = jax.nn.sigmoid(gm @ W_ur.T).reshape(B, H, 1, 1)
    gate_u = jax.nn.sigmoid(gm @ W_i.T).reshape(B, H, 1, 1)
    s = scale.reshape(1, H, 1, 1)
    return pos_embed + gate_u * s * gate_r * pos_embed

if __name__ == "__main__":
    import jax
    _d = setup_inputs()
    print(jax.jit(kernel)(*tuple(_d.values())))

</pallas_src>

<mosaic_0001>
#map = affine_map<(d0, d1) -> (0)>
#map1 = affine_map<(d0, d1) -> (0, 0, 0, 0)>
module attributes {stable_mosaic.version = 14 : i64} {
  func.func @_sc_body(%arg0: i32, %arg1: i32, %arg2: memref<5120xf32, #tpu.memory_space<hbm>>, %arg3: memref<4112xi32, #tpu.memory_space<hbm>>, %arg4: memref<16xf32, #tpu.memory_space<hbm>>, %arg5: memref<1x16x2048x2048xf32, #tpu.memory_space<hbm>>, %arg6: memref<5120xf32, #tpu.memory_space<vmem>>, %arg7: memref<4112xi32, #tpu.memory_space<vmem>>, %arg8: memref<16xf32, #tpu.memory_space<vmem>>, %arg9: memref<4144xf32, #tpu.memory_space<vmem>>, %arg10: memref<8x2048xf32, #tpu.memory_space<vmem>>, %arg11: memref<8x2048xf32, #tpu.memory_space<vmem>>, %arg12: memref<!tpu.dma_semaphore, #tpu.memory_space<semaphore_mem>>, %arg13: memref<!tpu.dma_semaphore, #tpu.memory_space<semaphore_mem>>) attributes {dimension_semantics = [#tpu.dimension_semantics<core_parallel>, #tpu.dimension_semantics<subcore_parallel>], iteration_bounds = array<i64: 2, 16>, scalar_prefetch = 0 : i64, scratch_operands = 8 : i64, tpu.core_type = #tpu.core_type<sc_vector_subcore>, window_params = [{transform_indices = #map}, {transform_indices = #map}, {transform_indices = #map}, {transform_indices = #map1}]} {
    %iota3A = tpu.iota {dimensions = array<i32: 0>} : vector<16xi32>
    "tpu.region"() ({
      %run_scoped3A = tpu.sem_alloc : memref<!tpu.dma_semaphore, #tpu.memory_space<semaphore_mem>>
      tpu.enqueue_dma source(%arg2 : memref<5120xf32, #tpu.memory_space<hbm>>) target(%arg6 : memref<5120xf32, #tpu.memory_space<vmem>>) target_semaphore(%run_scoped3A : memref<!tpu.dma_semaphore, #tpu.memory_space<semaphore_mem>>)
      tpu.wait_dma2 semaphore(%run_scoped3A : memref<!tpu.dma_semaphore, #tpu.memory_space<semaphore_mem>>) src(%arg2 : memref<5120xf32, #tpu.memory_space<hbm>>) dst(%arg6 : memref<5120xf32, #tpu.memory_space<vmem>>)
      tpu.yield
    }) : () -> ()
    "tpu.region"() ({
      %run_scoped3A = tpu.sem_alloc : memref<!tpu.dma_semaphore, #tpu.memory_space<semaphore_mem>>
      tpu.enqueue_dma source(%arg3 : memref<4112xi32, #tpu.memory_space<hbm>>) target(%arg7 : memref<4112xi32, #tpu.memory_space<vmem>>) target_semaphore(%run_scoped3A : memref<!tpu.dma_semaphore, #tpu.memory_space<semaphore_mem>>)
      tpu.wait_dma2 semaphore(%run_scoped3A : memref<!tpu.dma_semaphore, #tpu.memory_space<semaphore_mem>>) src(%arg3 : memref<4112xi32, #tpu.memory_space<hbm>>) dst(%arg7 : memref<4112xi32, #tpu.memory_space<vmem>>)
      tpu.yield
    }) : () -> ()
    "tpu.region"() ({
      %run_scoped3A = tpu.sem_alloc : memref<!tpu.dma_semaphore, #tpu.memory_space<semaphore_mem>>
      tpu.enqueue_dma source(%arg4 : memref<16xf32, #tpu.memory_space<hbm>>) target(%arg8 : memref<16xf32, #tpu.memory_space<vmem>>) target_semaphore(%run_scoped3A : memref<!tpu.dma_semaphore, #tpu.memory_space<semaphore_mem>>)
      tpu.wait_dma2 semaphore(%run_scoped3A : memref<!tpu.dma_semaphore, #tpu.memory_space<semaphore_mem>>) src(%arg4 : memref<16xf32, #tpu.memory_space<hbm>>) dst(%arg8 : memref<16xf32, #tpu.memory_space<vmem>>)
      tpu.yield
    }) : () -> ()
    %broadcast_in_dim3A = vector.broadcast %arg1 : i32 to vector<16xi32>
    %gather3A = tpu.vector_load_idx %arg8[%broadcast_in_dim3A] : memref<16xf32, #tpu.memory_space<vmem>>[vector<16xi32>], vector<16xf32>,
    %scan3A = arith.constant 0 : i32
    %scan3A_0 = arith.constant 0 : i32
    %scan3A_1 = arith.constant 256 : i32
    %scan3A_2 = arith.addi %scan3A_0, %scan3A_1 : i32
    %scan3A_3 = arith.constant 1 : i32
    %scan3A_4 = scf.for %scan3A_33 = %scan3A_0 to %scan3A_2 step %scan3A_3 iter_args(%scan3A_34 = %scan3A) -> (i32)  : i32 {
      %mul3A_35 = arith.constant 16 : i32
      %mul3A_36 = arith.muli %scan3A_33, %mul3A_35 : i32
      %get3A = arith.index_cast %mul3A_36 : i32 to index
      %get3A_37 = tpu.vector_load %arg7[%get3A] {strides = array<i32>} : memref<4112xi32, #tpu.memory_space<vmem>>, vector<16xi32>,
      %mul3A_38 = arith.constant 16 : i32
      %mul3A_39 = vector.broadcast %mul3A_38 : i32 to vector<16xi32>
      %mul3A_40 = arith.muli %get3A_37, %mul3A_39 : vector<16xi32>
      %add3A = vector.broadcast %arg1 : i32 to vector<16xi32>
      %add3A_41 = arith.addi %mul3A_40, %add3A : vector<16xi32>
      %gather3A_42 = tpu.vector_load_idx %arg6[%add3A_41] : memref<5120xf32, #tpu.memory_space<vmem>>[vector<16xi32>], vector<16xf32>,
      %mul3A_43 = arith.mulf %gather3A_42, %gather3A : vector<16xf32>
      %swap3A = arith.index_cast %mul3A_36 : i32 to index
      %swap3A_44 = tpu.vector_load %arg9[%swap3A] {strides = array<i32>} : memref<4144xf32, #tpu.memory_space<vmem>>, vector<16xf32>,
      tpu.vector_store %arg9[%swap3A], %mul3A_43 {strides = array<i32>} : memref<4144xf32, #tpu.memory_space<vmem>>, vector<16xf32>,
      %scan3A_45 = arith.constant 0 : i32
      scf.yield %scan3A_45 : i32
    }
    %scan3A_5 = arith.constant 256 : i32
    %mul3A = arith.constant 1024 : i32
    %mul3A_6 = arith.muli %arg0, %mul3A : i32
    %scan3A_7 = arith.constant 0 : i32
    %scan3A_8 = arith.constant 0 : i32
    %scan3A_9 = arith.constant 64 : i32
    %scan3A_10 = arith.addi %scan3A_8, %scan3A_9 : i32
    %scan3A_11 = arith.constant 1 : i32
    %scan3A_12 = scf.for %scan3A_33 = %scan3A_8 to %scan3A_10 step %scan3A_11 iter_args(%scan3A_34 = %scan3A_7) -> (i32)  : i32 {
      %mul3A_35 = arith.constant 2 : i32
      %mul3A_36 = arith.muli %scan3A_33, %mul3A_35 : i32
      %mul3A_37 = arith.constant 8 : i32
      %mul3A_38 = arith.muli %mul3A_36, %mul3A_37 : i32
      %add3A = arith.addi %mul3A_6, %mul3A_38 : i32
      %gt3A = arith.constant 0 : i32
      %gt3A_39 = arith.cmpi sgt, %scan3A_33, %gt3A : i32
      %convert_element_type3A = arith.extui %gt3A_39 : i1 to i32
      %cond3A = arith.constant 0 : i32
      %cond3A_40 = arith.cmpi ne, %convert_element_type3A, %cond3A : i32
      scf.if %cond3A_40 {
        %dma_wait3A_146 = arith.constant 0 : i32
        %dma_wait3A_147 = arith.constant 0 : i32
        %dma_wait3A_148 = arith.constant 0 : i32
        %dma_wait3A_149 = arith.constant 0 : i32
        %dma_wait3A_150 = tpu.memref_slice %arg5[%dma_wait3A_146, %dma_wait3A_147, %dma_wait3A_148, %dma_wait3A_149] : memref<1x16x2048x2048xf32, #tpu.memory_space<hbm>> -> memref<1x1x8x2048xf32, #tpu.memory_space<hbm>>
        %dma_wait3A_151 = tpu.memref_squeeze %dma_wait3A_150 : memref<1x1x8x2048xf32, #tpu.memory_space<hbm>> -> memref<8x2048xf32, #tpu.memory_space<hbm>>
        %dma_wait3A_152 = arith.constant 0 : i32
        %dma_wait3A_153 = arith.constant 0 : i32
        %dma_wait3A_154 = tpu.memref_slice %arg5[%dma_wait3A_146, %dma_wait3A_147, %dma_wait3A_152, %dma_wait3A_153] : memref<1x16x2048x2048xf32, #tpu.memory_space<hbm>> -> memref<1x1x8x2048xf32, #tpu.memory_space<hbm>>
        %dma_wait3A_155 = tpu.memref_squeeze %dma_wait3A_154 : memref<1x1x8x2048xf32, #tpu.memory_space<hbm>> -> memref<8x2048xf32, #tpu.memory_space<hbm>>
        tpu.wait_dma2 semaphore(%arg12 : memref<!tpu.dma_semaphore, #tpu.memory_space<semaphore_mem>>) src(%arg10 : memref<8x2048xf32, #tpu.memory_space<vmem>>) dst(%dma_wait3A_155 : memref<8x2048xf32, #tpu.memory_space<hbm>>)
      } else {
      }
      %sub3A = arith.constant 2047 : i32
      %sub3A_41 = arith.subi %sub3A, %add3A : i32
      %add3A_42 = vector.broadcast %sub3A_41 : i32 to vector<16xi32>
      %add3A_43 = arith.addi %iota3A, %add3A_42 : vector<16xi32>
      %sub3A_44 = arith.constant 0 : i32
      %sub3A_45 = vector.broadcast %sub3A_44 : i32 to vector<16xi32>
      %sub3A_46 = arith.subi %add3A_43, %sub3A_45 : vector<16xi32>
      %sub3A_47 = arith.constant 1 : i32
      %sub3A_48 = vector.broadcast %sub3A_47 : i32 to vector<16xi32>
      %sub3A_49 = arith.subi %add3A_43, %sub3A_48 : vector<16xi32>
      %sub3A_50 = arith.constant 2 : i32
      %sub3A_51 = vector.broadcast %sub3A_50 : i32 to vector<16xi32>
      %sub3A_52 = arith.subi %add3A_43, %sub3A_51 : vector<16xi32>
      %sub3A_53 = arith.constant 3 : i32
      %sub3A_54 = vector.broadcast %sub3A_53 : i32 to vector<16xi32>
      %sub3A_55 = arith.subi %add3A_43, %sub3A_54 : vector<16xi32>
      %sub3A_56 = arith.constant 4 : i32
      %sub3A_57 = vector.broadcast %sub3A_56 : i32 to vector<16xi32>
      %sub3A_58 = arith.subi %add3A_43, %sub3A_57 : vector<16xi32>
      %sub3A_59 = arith.constant 5 : i32
      %sub3A_60 = vector.broadcast %sub3A_59 : i32 to vector<16xi32>
      %sub3A_61 = arith.subi %add3A_43, %sub3A_60 : vector<16xi32>
      %sub3A_62 = arith.constant 6 : i32
      %sub3A_63 = vector.broadcast %sub3A_62 : i32 to vector<16xi32>
      %sub3A_64 = arith.subi %add3A_43, %sub3A_63 : vector<16xi32>
      %sub3A_65 = arith.constant 7 : i32
      %sub3A_66 = vector.broadcast %sub3A_65 : i32 to vector<16xi32>
      %sub3A_67 = arith.subi %add3A_43, %sub3A_66 : vector<16xi32>
      %gather3A_68 = tpu.vector_load_idx %arg9[%sub3A_46] : memref<4144xf32, #tpu.memory_space<vmem>>[vector<16xi32>], vector<16xf32>,
      %gather3A_69 = tpu.vector_load_idx %arg9[%sub3A_49] : memref<4144xf32, #tpu.memory_space<vmem>>[vector<16xi32>], vector<16xf32>,
      %gather3A_70 = tpu.vector_load_idx %arg9[%sub3A_52] : memref<4144xf32, #tpu.memory_space<vmem>>[vector<16xi32>], vector<16xf32>,
      %gather3A_71 = tpu.vector_load_idx %arg9[%sub3A_55] : memref<4144xf32, #tpu.memory_space<vmem>>[vector<16xi32>], vector<16xf32>,
      %gather3A_72 = tpu.vector_load_idx %arg9[%sub3A_58] : memref<4144xf32, #tpu.memory_space<vmem>>[vector<16xi32>], vector<16xf32>,
      %gather3A_73 = tpu.vector_load_idx %arg9[%sub3A_61] : memref<4144xf32, #tpu.memory_space<vmem>>[vector<16xi32>], vector<16xf32>,
      %gather3A_74 = tpu.vector_load_idx %arg9[%sub3A_64] : memref<4144xf32, #tpu.memory_space<vmem>>[vector<16xi32>], vector<16xf32>,
      %gather3A_75 = tpu.vector_load_idx %arg9[%sub3A_67] : memref<4144xf32, #tpu.memory_space<vmem>>[vector<16xi32>], vector<16xf32>,
      %scan3A_76 = arith.constant 0 : i32
      %scan3A_77 = arith.constant 128 : i32
      %scan3A_78 = arith.addi %scan3A_76, %scan3A_77 : i32
      %scan3A_79 = arith.constant 1 : i32
      %scan3A_80:16 = scf.for %scan3A_146 = %scan3A_76 to %scan3A_78 step %scan3A_79 iter_args(%scan3A_147 = %sub3A_46, %scan3A_148 = %sub3A_49, %scan3A_149 = %sub3A_52, %scan3A_150 = %sub3A_55, %scan3A_151 = %sub3A_58, %scan3A_152 = %sub3A_61, %scan3A_153 = %sub3A_64, %scan3A_154 = %sub3A_67, %scan3A_155 = %gather3A_68, %scan3A_156 = %gather3A_69, %scan3A_157 = %gather3A_70, %scan3A_158 = %gather3A_71, %scan3A_159 = %gather3A_72, %scan3A_160 = %gather3A_73, %scan3A_161 = %gather3A_74, %scan3A_162 = %gather3A_75) -> (vector<16xi32>, vector<16xi32>, vector<16xi32>, vector<16xi32>, vector<16xi32>, vector<16xi32>, vector<16xi32>, vector<16xi32>, vector<16xf32>, vector<16xf32>, vector<16xf32>, vector<16xf32>, vector<16xf32>, vector<16xf32>, vector<16xf32>, vector<16xf32>)  : i32 {
        %add3A_163 = arith.constant 16 : i32
        %add3A_164 = vector.broadcast %add3A_163 : i32 to vector<16xi32>
        %add3A_165 = arith.addi %scan3A_147, %add3A_164 : vector<16xi32>
        %add3A_166 = arith.constant 16 : i32
        %add3A_167 = vector.broadcast %add3A_166 : i32 to vector<16xi32>
        %add3A_168 = arith.addi %scan3A_148, %add3A_167 : vector<16xi32>
        %add3A_169 = arith.constant 16 : i32
        %add3A_170 = vector.broadcast %add3A_169 : i32 to vector<16xi32>
        %add3A_171 = arith.addi %scan3A_149, %add3A_170 : vector<16xi32>
        %add3A_172 = arith.constant 16 : i32
        %add3A_173 = vector.broadcast %add3A_172 : i32 to vector<16xi32>
        %add3A_174 = arith.addi %scan3A_150, %add3A_173 : vector<16xi32>
        %add3A_175 = arith.constant 16 : i32
        %add3A_176 = vector.broadcast %add3A_175 : i32 to vector<16xi32>
        %add3A_177 = arith.addi %scan3A_151, %add3A_176 : vector<16xi32>
        %add3A_178 = arith.constant 16 : i32
        %add3A_179 = vector.broadcast %add3A_178 : i32 to vector<16xi32>
        %add3A_180 = arith.addi %scan3A_152, %add3A_179 : vector<16xi32>
        %add3A_181 = arith.constant 16 : i32
        %add3A_182 = vector.broadcast %add3A_181 : i32 to vector<16xi32>
        %add3A_183 = arith.addi %scan3A_153, %add3A_182 : vector<16xi32>
        %add3A_184 = arith.constant 16 : i32
        %add3A_185 = vector.broadcast %add3A_184 : i32 to vector<16xi32>
        %add3A_186 = arith.addi %scan3A_154, %add3A_185 : vector<16xi32>
        %gather3A_187 = tpu.vector_load_idx %arg9[%add3A_165] : memref<4144xf32, #tpu.memory_space<vmem>>[vector<16xi32>], vector<16xf32>,
        %gather3A_188 = tpu.vector_load_idx %arg9[%add3A_168] : memref<4144xf32, #tpu.memory_space<vmem>>[vector<16xi32>], vector<16xf32>,
        %gather3A_189 = tpu.vector_load_idx %arg9[%add3A_171] : memref<4144xf32, #tpu.memory_space<vmem>>[vector<16xi32>], vector<16xf32>,
        %gather3A_190 = tpu.vector_load_idx %arg9[%add3A_174] : memref<4144xf32, #tpu.memory_space<vmem>>[vector<16xi32>], vector<16xf32>,
        %gather3A_191 = tpu.vector_load_idx %arg9[%add3A_177] : memref<4144xf32, #tpu.memory_space<vmem>>[vector<16xi32>], vector<16xf32>,
        %gather3A_192 = tpu.vector_load_idx %arg9[%add3A_180] : memref<4144xf32, #tpu.memory_space<vmem>>[vector<16xi32>], vector<16xf32>,
        %gather3A_193 = tpu.vector_load_idx %arg9[%add3A_183] : memref<4144xf32, #tpu.memory_space<vmem>>[vector<16xi32>], vector<16xf32>,
        %gather3A_194 = tpu.vector_load_idx %arg9[%add3A_186] : memref<4144xf32, #tpu.memory_space<vmem>>[vector<16xi32>], vector<16xf32>,
        %mul3A_195 = arith.constant 16 : i32
        %mul3A_196 = arith.muli %scan3A_146, %mul3A_195 : i32
        %swap3A = arith.constant 0 : i32
        %swap3A_197 = arith.index_cast %swap3A : i32 to index
        %swap3A_198 = arith.index_cast %mul3A_196 : i32 to index
        %swap3A_199 = tpu.vector_load %arg10[%swap3A_197, %swap3A_198] {strides = array<i32>} : memref<8x2048xf32, #tpu.memory_space<vmem>>, vector<16xf32>,
        tpu.vector_store %arg10[%swap3A_197, %swap3A_198], %scan3A_155 {strides = array<i32>} : memref<8x2048xf32, #tpu.memory_space<vmem>>, vector<16xf32>,
        %swap3A_200 = arith.constant 1 : i32
        %swap3A_201 = arith.index_cast %swap3A_200 : i32 to index
        %swap3A_202 = arith.index_cast %mul3A_196 : i32 to index
        %swap3A_203 = tpu.vector_load %arg10[%swap3A_201, %swap3A_202] {strides = array<i32>} : memref<8x2048xf32, #tpu.memory_space<vmem>>, vector<16xf32>,
        tpu.vector_store %arg10[%swap3A_201, %swap3A_202], %scan3A_156 {strides = array<i32>} : memref<8x2048xf32, #tpu.memory_space<vmem>>, vector<16xf32>,
        %swap3A_204 = arith.constant 2 : i32
        %swap3A_205 = arith.index_cast %swap3A_204 : i32 to index
        %swap3A_206 = arith.index_cast %mul3A_196 : i32 to index
        %swap3A_207 = tpu.vector_load %arg10[%swap3A_205, %swap3A_206] {strides = array<i32>} : memref<8x2048xf32, #tpu.memory_space<vmem>>, vector<16xf32>,
        tpu.vector_store %arg10[%swap3A_205, %swap3A_206], %scan3A_157 {strides = array<i32>} : memref<8x2048xf32, #tpu.memory_space<vmem>>, vector<16xf32>,
        %swap3A_208 = arith.constant 3 : i32
        %swap3A_209 = arith.index_cast %swap3A_208 : i32 to index
        %swap3A_210 = arith.index_cast %mul3A_196 : i32 to index
        %swap3A_211 = tpu.vector_load %arg10[%swap3A_209, %swap3A_210] {strides = array<i32>} : memref<8x2048xf32, #tpu.memory_space<vmem>>, vector<16xf32>,
        tpu.vector_store %arg10[%swap3A_209, %swap3A_210], %scan3A_158 {strides = array<i32>} : memref<8x2048xf32, #tpu.memory_space<vmem>>, vector<16xf32>,
        %swap3A_212 = arith.constant 4 : i32
        %swap3A_213 = arith.index_cast %swap3A_212 : i32 to index
        %swap3A_214 = arith.index_cast %mul3A_196 : i32 to index
        %swap3A_215 = tpu.vector_load %arg10[%swap3A_213, %swap3A_214] {strides = array<i32>} : memref<8x2048xf32, #tpu.memory_space<vmem>>, vector<16xf32>,
        tpu.vector_store %arg10[%swap3A_213, %swap3A_214], %scan3A_159 {strides = array<i32>} : memref<8x2048xf32, #tpu.memory_space<vmem>>, vector<16xf32>,
        %swap3A_216 = arith.constant 5 : i32
        %swap3A_217 = arith.index_cast %swap3A_216 : i32 to index
        %swap3A_218 = arith.index_cast %mul3A_196 : i32 to index
        %swap3A_219 = tpu.vector_load %arg10[%swap3A_217, %swap3A_218] {strides = array<i32>} : memref<8x2048xf32, #tpu.memory_space<vmem>>, vector<16xf32>,
        tpu.vector_store %arg10[%swap3A_217, %swap3A_218], %scan3A_160 {strides = array<i32>} : memref<8x2048xf32, #tpu.memory_space<vmem>>, vector<16xf32>,
        %swap3A_220 = arith.constant 6 : i32
        %swap3A_221 = arith.index_cast %swap3A_220 : i32 to index
        %swap3A_222 = arith.index_cast %mul3A_196 : i32 to index
        %swap3A_223 = tpu.vector_load %arg10[%swap3A_221, %swap3A_222] {strides = array<i32>} : memref<8x2048xf32, #tpu.memory_space<vmem>>, vector<16xf32>,
        tpu.vector_store %arg10[%swap3A_221, %swap3A_222], %scan3A_161 {strides = array<i32>} : memref<8x2048xf32, #tpu.memory_space<vmem>>, vector<16xf32>,
        %swap3A_224 = arith.constant 7 : i32
        %swap3A_225 = arith.index_cast %swap3A_224 : i32 to index
        %swap3A_226 = arith.index_cast %mul3A_196 : i32 to index
        %swap3A_227 = tpu.vector_load %arg10[%swap3A_225, %swap3A_226] {strides = array<i32>} : memref<8x2048xf32, #tpu.memory_space<vmem>>, vector<16xf32>,
        tpu.vector_store %arg10[%swap3A_225, %swap3A_226], %scan3A_162 {strides = array<i32>} : memref<8x2048xf32, #tpu.memory_space<vmem>>, vector<16xf32>,
        scf.yield %add3A_165, %add3A_168, %add3A_171, %add3A_174, %add3A_177, %add3A_180, %add3A_183, %add3A_186, %gather3A_187, %gather3A_188, %gather3A_189, %gather3A_190, %gather3A_191, %gather3A_192, %gather3A_193, %gather3A_194 : vector<16xi32>, vector<16xi32>, vector<16xi32>, vector<16xi32>, vector<16xi32>, vector<16xi32>, vector<16xi32>, vector<16xi32>, vector<16xf32>, vector<16xf32>, vector<16xf32>, vector<16xf32>, vector<16xf32>, vector<16xf32>, vector<16xf32>, vector<16xf32>
      }
      %scan3A_81 = arith.constant 128 : i32
      %multiple_of3A = tpu.assume_multiple %add3A, 8 : i32
      %dma_start3A = arith.constant 0 : i32
      %dma_start3A_82 = arith.constant 0 : i32
      %dma_start3A_83 = tpu.memref_slice %arg5[%dma_start3A, %arg1, %multiple_of3A, %dma_start3A_82] : memref<1x16x2048x2048xf32, #tpu.memory_space<hbm>> -> memref<1x1x8x2048xf32, #tpu.memory_space<hbm>>
      %dma_start3A_84 = tpu.memref_squeeze %dma_start3A_83 : memref<1x1x8x2048xf32, #tpu.memory_space<hbm>> -> memref<8x2048xf32, #tpu.memory_space<hbm>>
      %dma_start3A_85 = arith.constant 0 : i32
      %dma_start3A_86 = tpu.memref_slice %arg5[%dma_start3A, %arg1, %multiple_of3A, %dma_start3A_85] : memref<1x16x2048x2048xf32, #tpu.memory_space<hbm>> -> memref<1x1x8x2048xf32, #tpu.memory_space<hbm>>
      %dma_start3A_87 = tpu.memref_squeeze %dma_start3A_86 : memref<1x1x8x2048xf32, #tpu.memory_space<hbm>> -> memref<8x2048xf32, #tpu.memory_space<hbm>>
      tpu.enqueue_dma source(%arg10 : memref<8x2048xf32, #tpu.memory_space<vmem>>) target(%dma_start3A_87 : memref<8x2048xf32, #tpu.memory_space<hbm>>) target_semaphore(%arg12 : memref<!tpu.dma_semaphore, #tpu.memory_space<semaphore_mem>>)
      %gt3A_88 = arith.constant 0 : i32
      %gt3A_89 = arith.cmpi sgt, %scan3A_33, %gt3A_88 : i32
      %convert_element_type3A_90 = arith.extui %gt3A_89 : i1 to i32
      %cond3A_91 = arith.constant 0 : i32
      %cond3A_92 = arith.cmpi ne, %convert_element_type3A_90, %cond3A_91 : i32
      scf.if %cond3A_92 {
        %dma_wait3A_146 = arith.constant 0 : i32
        %dma_wait3A_147 = arith.constant 0 : i32
        %dma_wait3A_148 = arith.constant 0 : i32
        %dma_wait3A_149 = arith.constant 0 : i32
        %dma_wait3A_150 = tpu.memref_slice %arg5[%dma_wait3A_146, %dma_wait3A_147, %dma_wait3A_148, %dma_wait3A_149] : memref<1x16x2048x2048xf32, #tpu.memory_space<hbm>> -> memref<1x1x8x2048xf32, #tpu.memory_space<hbm>>
        %dma_wait3A_151 = tpu.memref_squeeze %dma_wait3A_150 : memref<1x1x8x2048xf32, #tpu.memory_space<hbm>> -> memref<8x2048xf32, #tpu.memory_space<hbm>>
        %dma_wait3A_152 = arith.constant 0 : i32
        %dma_wait3A_153 = arith.constant 0 : i32
        %dma_wait3A_154 = tpu.memref_slice %arg5[%dma_wait3A_146, %dma_wait3A_147, %dma_wait3A_152, %dma_wait3A_153] : memref<1x16x2048x2048xf32, #tpu.memory_space<hbm>> -> memref<1x1x8x2048xf32, #tpu.memory_space<hbm>>
        %dma_wait3A_155 = tpu.memref_squeeze %dma_wait3A_154 : memref<1x1x8x2048xf32, #tpu.memory_space<hbm>> -> memref<8x2048xf32, #tpu.memory_space<hbm>>
        tpu.wait_dma2 semaphore(%arg13 : memref<!tpu.dma_semaphore, #tpu.memory_space<semaphore_mem>>) src(%arg11 : memref<8x2048xf32, #tpu.memory_space<vmem>>) dst(%dma_wait3A_155 : memref<8x2048xf32, #tpu.memory_space<hbm>>)
      } else {
      }
      %add3A_93 = arith.constant 8 : i32
      %add3A_94 = arith.addi %add3A, %add3A_93 : i32
      %sub3A_95 = arith.constant 2047 : i32
      %sub3A_96 = arith.subi %sub3A_95, %add3A_94 : i32
      %add3A_97 = vector.broadcast %sub3A_96 : i32 to vector<16xi32>
      %add3A_98 = arith.addi %iota3A, %add3A_97 : vector<16xi32>
      %sub3A_99 = arith.constant 0 : i32
      %sub3A_100 = vector.broadcast %sub3A_99 : i32 to vector<16xi32>
      %sub3A_101 = arith.subi %add3A_98, %sub3A_100 : vector<16xi32>
      %sub3A_102 = arith.constant 1 : i32
      %sub3A_103 = vector.broadcast %sub3A_102 : i32 to vector<16xi32>
      %sub3A_104 = arith.subi %add3A_98, %sub3A_103 : vector<16xi32>
      %sub3A_105 = arith.constant 2 : i32
      %sub3A_106 = vector.broadcast %sub3A_105 : i32 to vector<16xi32>
      %sub3A_107 = arith.subi %add3A_98, %sub3A_106 : vector<16xi32>
      %sub3A_108 = arith.constant 3 : i32
      %sub3A_109 = vector.broadcast %sub3A_108 : i32 to vector<16xi32>
      %sub3A_110 = arith.subi %add3A_98, %sub3A_109 : vector<16xi32>
      %sub3A_111 = arith.constant 4 : i32
      %sub3A_112 = vector.broadcast %sub3A_111 : i32 to vector<16xi32>
      %sub3A_113 = arith.subi %add3A_98, %sub3A_112 : vector<16xi32>
      %sub3A_114 = arith.constant 5 : i32
      %sub3A_115 = vector.broadcast %sub3A_114 : i32 to vector<16xi32>
      %sub3A_116 = arith.subi %add3A_98, %sub3A_115 : vector<16xi32>
      %sub3A_117 = arith.constant 6 : i32
      %sub3A_118 = vector.broadcast %sub3A_117 : i32 to vector<16xi32>
      %sub3A_119 = arith.subi %add3A_98, %sub3A_118 : vector<16xi32>
      %sub3A_120 = arith.constant 7 : i32
      %sub3A_121 = vector.broadcast %sub3A_120 : i32 to vector<16xi32>
      %sub3A_122 = arith.subi %add3A_98, %sub3A_121 : vector<16xi32>
      %gather3A_123 = tpu.vector_load_idx %arg9[%sub3A_101] : memref<4144xf32, #tpu.memory_space<vmem>>[vector<16xi32>], vector<16xf32>,
      %gather3A_124 = tpu.vector_load_idx %arg9[%sub3A_104] : memref<4144xf32, #tpu.memory_space<vmem>>[vector<16xi32>], vector<16xf32>,
      %gather3A_125 = tpu.vector_load_idx %arg9[%sub3A_107] : memref<4144xf32, #tpu.memory_space<vmem>>[vector<16xi32>], vector<16xf32>,
      %gather3A_126 = tpu.vector_load_idx %arg9[%sub3A_110] : memref<4144xf32, #tpu.memory_space<vmem>>[vector<16xi32>], vector<16xf32>,
      %gather3A_127 = tpu.vector_load_idx %arg9[%sub3A_113] : memref<4144xf32, #tpu.memory_space<vmem>>[vector<16xi32>], vector<16xf32>,
      %gather3A_128 = tpu.vector_load_idx %arg9[%sub3A_116] : memref<4144xf32, #tpu.memory_space<vmem>>[vector<16xi32>], vector<16xf32>,
      %gather3A_129 = tpu.vector_load_idx %arg9[%sub3A_119] : memref<4144xf32, #tpu.memory_space<vmem>>[vector<16xi32>], vector<16xf32>,
      %gather3A_130 = tpu.vector_load_idx %arg9[%sub3A_122] : memref<4144xf32, #tpu.memory_space<vmem>>[vector<16xi32>], vector<16xf32>,
      %scan3A_131 = arith.constant 0 : i32
      %scan3A_132 = arith.constant 128 : i32
      %scan3A_133 = arith.addi %scan3A_131, %scan3A_132 : i32
      %scan3A_134 = arith.constant 1 : i32
      %scan3A_135:16 = scf.for %scan3A_146 = %scan3A_131 to %scan3A_133 step %scan3A_134 iter_args(%scan3A_147 = %sub3A_101, %scan3A_148 = %sub3A_104, %scan3A_149 = %sub3A_107, %scan3A_150 = %sub3A_110, %scan3A_151 = %sub3A_113, %scan3A_152 = %sub3A_116, %scan3A_153 = %sub3A_119, %scan3A_154 = %sub3A_122, %scan3A_155 = %gather3A_123, %scan3A_156 = %gather3A_124, %scan3A_157 = %gather3A_125, %scan3A_158 = %gather3A_126, %scan3A_159 = %gather3A_127, %scan3A_160 = %gather3A_128, %scan3A_161 = %gather3A_129, %scan3A_162 = %gather3A_130) -> (vector<16xi32>, vector<16xi32>, vector<16xi32>, vector<16xi32>, vector<16xi32>, vector<16xi32>, vector<16xi32>, vector<16xi32>, vector<16xf32>, vector<16xf32>, vector<16xf32>, vector<16xf32>, vector<16xf32>, vector<16xf32>, vector<16xf32>, vector<16xf32>)  : i32 {
        %add3A_163 = arith.constant 16 : i32
        %add3A_164 = vector.broadcast %add3A_163 : i32 to vector<16xi32>
        %add3A_165 = arith.addi %scan3A_147, %add3A_164 : vector<16xi32>
        %add3A_166 = arith.constant 16 : i32
        %add3A_167 = vector.broadcast %add3A_166 : i32 to vector<16xi32>
        %add3A_168 = arith.addi %scan3A_148, %add3A_167 : vector<16xi32>
        %add3A_169 = arith.constant 16 : i32
        %add3A_170 = vector.broadcast %add3A_169 : i32 to vector<16xi32>
        %add3A_171 = arith.addi %scan3A_149, %add3A_170 : vector<16xi32>
        %add3A_172 = arith.constant 16 : i32
        %add3A_173 = vector.broadcast %add3A_172 : i32 to vector<16xi32>
        %add3A_174 = arith.addi %scan3A_150, %add3A_173 : vector<16xi32>
        %add3A_175 = arith.constant 16 : i32
        %add3A_176 = vector.broadcast %add3A_175 : i32 to vector<16xi32>
        %add3A_177 = arith.addi %scan3A_151, %add3A_176 : vector<16xi32>
        %add3A_178 = arith.constant 16 : i32
        %add3A_179 = vector.broadcast %add3A_178 : i32 to vector<16xi32>
        %add3A_180 = arith.addi %scan3A_152, %add3A_179 : vector<16xi32>
        %add3A_181 = arith.constant 16 : i32
        %add3A_182 = vector.broadcast %add3A_181 : i32 to vector<16xi32>
        %add3A_183 = arith.addi %scan3A_153, %add3A_182 : vector<16xi32>
        %add3A_184 = arith.constant 16 : i32
        %add3A_185 = vector.broadcast %add3A_184 : i32 to vector<16xi32>
        %add3A_186 = arith.addi %scan3A_154, %add3A_185 : vector<16xi32>
        %gather3A_187 = tpu.vector_load_idx %arg9[%add3A_165] : memref<4144xf32, #tpu.memory_space<vmem>>[vector<16xi32>], vector<16xf32>,
        %gather3A_188 = tpu.vector_load_idx %arg9[%add3A_168] : memref<4144xf32, #tpu.memory_space<vmem>>[vector<16xi32>], vector<16xf32>,
        %gather3A_189 = tpu.vector_load_idx %arg9[%add3A_171] : memref<4144xf32, #tpu.memory_space<vmem>>[vector<16xi32>], vector<16xf32>,
        %gather3A_190 = tpu.vector_load_idx %arg9[%add3A_174] : memref<4144xf32, #tpu.memory_space<vmem>>[vector<16xi32>], vector<16xf32>,
        %gather3A_191 = tpu.vector_load_idx %arg9[%add3A_177] : memref<4144xf32, #tpu.memory_space<vmem>>[vector<16xi32>], vector<16xf32>,
        %gather3A_192 = tpu.vector_load_idx %arg9[%add3A_180] : memref<4144xf32, #tpu.memory_space<vmem>>[vector<16xi32>], vector<16xf32>,
        %gather3A_193 = tpu.vector_load_idx %arg9[%add3A_183] : memref<4144xf32, #tpu.memory_space<vmem>>[vector<16xi32>], vector<16xf32>,
        %gather3A_194 = tpu.vector_load_idx %arg9[%add3A_186] : memref<4144xf32, #tpu.memory_space<vmem>>[vector<16xi32>], vector<16xf32>,
        %mul3A_195 = arith.constant 16 : i32
        %mul3A_196 = arith.muli %scan3A_146, %mul3A_195 : i32
        %swap3A = arith.constant 0 : i32
        %swap3A_197 = arith.index_cast %swap3A : i32 to index
        %swap3A_198 = arith.index_cast %mul3A_196 : i32 to index
        %swap3A_199 = tpu.vector_load %arg11[%swap3A_197, %swap3A_198] {strides = array<i32>} : memref<8x2048xf32, #tpu.memory_space<vmem>>, vector<16xf32>,
        tpu.vector_store %arg11[%swap3A_197, %swap3A_198], %scan3A_155 {strides = array<i32>} : memref<8x2048xf32, #tpu.memory_space<vmem>>, vector<16xf32>,
        %swap3A_200 = arith.constant 1 : i32
        %swap3A_201 = arith.index_cast %swap3A_200 : i32 to index
        %swap3A_202 = arith.index_cast %mul3A_196 : i32 to index
        %swap3A_203 = tpu.vector_load %arg11[%swap3A_201, %swap3A_202] {strides = array<i32>} : memref<8x2048xf32, #tpu.memory_space<vmem>>, vector<16xf32>,
        tpu.vector_store %arg11[%swap3A_201, %swap3A_202], %scan3A_156 {strides = array<i32>} : memref<8x2048xf32, #tpu.memory_space<vmem>>, vector<16xf32>,
        %swap3A_204 = arith.constant 2 : i32
        %swap3A_205 = arith.index_cast %swap3A_204 : i32 to index
        %swap3A_206 = arith.index_cast %mul3A_196 : i32 to index
        %swap3A_207 = tpu.vector_load %arg11[%swap3A_205, %swap3A_206] {strides = array<i32>} : memref<8x2048xf32, #tpu.memory_space<vmem>>, vector<16xf32>,
        tpu.vector_store %arg11[%swap3A_205, %swap3A_206], %scan3A_157 {strides = array<i32>} : memref<8x2048xf32, #tpu.memory_space<vmem>>, vector<16xf32>,
        %swap3A_208 = arith.constant 3 : i32
        %swap3A_209 = arith.index_cast %swap3A_208 : i32 to index
        %swap3A_210 = arith.index_cast %mul3A_196 : i32 to index
        %swap3A_211 = tpu.vector_load %arg11[%swap3A_209, %swap3A_210] {strides = array<i32>} : memref<8x2048xf32, #tpu.memory_space<vmem>>, vector<16xf32>,
        tpu.vector_store %arg11[%swap3A_209, %swap3A_210], %scan3A_158 {strides = array<i32>} : memref<8x2048xf32, #tpu.memory_space<vmem>>, vector<16xf32>,
        %swap3A_212 = arith.constant 4 : i32
        %swap3A_213 = arith.index_cast %swap3A_212 : i32 to index
        %swap3A_214 = arith.index_cast %mul3A_196 : i32 to index
        %swap3A_215 = tpu.vector_load %arg11[%swap3A_213, %swap3A_214] {strides = array<i32>} : memref<8x2048xf32, #tpu.memory_space<vmem>>, vector<16xf32>,
        tpu.vector_store %arg11[%swap3A_213, %swap3A_214], %scan3A_159 {strides = array<i32>} : memref<8x2048xf32, #tpu.memory_space<vmem>>, vector<16xf32>,
        %swap3A_216 = arith.constant 5 : i32
        %swap3A_217 = arith.index_cast %swap3A_216 : i32 to index
        %swap3A_218 = arith.index_cast %mul3A_196 : i32 to index
        %swap3A_219 = tpu.vector_load %arg11[%swap3A_217, %swap3A_218] {strides = array<i32>} : memref<8x2048xf32, #tpu.memory_space<vmem>>, vector<16xf32>,
        tpu.vector_store %arg11[%swap3A_217, %swap3A_218], %scan3A_160 {strides = array<i32>} : memref<8x2048xf32, #tpu.memory_space<vmem>>, vector<16xf32>,
        %swap3A_220 = arith.constant 6 : i32
        %swap3A_221 = arith.index_cast %swap3A_220 : i32 to index
        %swap3A_222 = arith.index_cast %mul3A_196 : i32 to index
        %swap3A_223 = tpu.vector_load %arg11[%swap3A_221, %swap3A_222] {strides = array<i32>} : memref<8x2048xf32, #tpu.memory_space<vmem>>, vector<16xf32>,
        tpu.vector_store %arg11[%swap3A_221, %swap3A_222], %scan3A_161 {strides = array<i32>} : memref<8x2048xf32, #tpu.memory_space<vmem>>, vector<16xf32>,
        %swap3A_224 = arith.constant 7 : i32
        %swap3A_225 = arith.index_cast %swap3A_224 : i32 to index
        %swap3A_226 = arith.index_cast %mul3A_196 : i32 to index
        %swap3A_227 = tpu.vector_load %arg11[%swap3A_225, %swap3A_226] {strides = array<i32>} : memref<8x2048xf32, #tpu.memory_space<vmem>>, vector<16xf32>,
        tpu.vector_store %arg11[%swap3A_225, %swap3A_226], %scan3A_162 {strides = array<i32>} : memref<8x2048xf32, #tpu.memory_space<vmem>>, vector<16xf32>,
        scf.yield %add3A_165, %add3A_168, %add3A_171, %add3A_174, %add3A_177, %add3A_180, %add3A_183, %add3A_186, %gather3A_187, %gather3A_188, %gather3A_189, %gather3A_190, %gather3A_191, %gather3A_192, %gather3A_193, %gather3A_194 : vector<16xi32>, vector<16xi32>, vector<16xi32>, vector<16xi32>, vector<16xi32>, vector<16xi32>, vector<16xi32>, vector<16xi32>, vector<16xf32>, vector<16xf32>, vector<16xf32>, vector<16xf32>, vector<16xf32>, vector<16xf32>, vector<16xf32>, vector<16xf32>
      }
      %scan3A_136 = arith.constant 128 : i32
      %multiple_of3A_137 = tpu.assume_multiple %add3A_94, 8 : i32
      %dma_start3A_138 = arith.constant 0 : i32
      %dma_start3A_139 = arith.constant 0 : i32
      %dma_start3A_140 = tpu.memref_slice %arg5[%dma_start3A_138, %arg1, %multiple_of3A_137, %dma_start3A_139] : memref<1x16x2048x2048xf32, #tpu.memory_space<hbm>> -> memref<1x1x8x2048xf32, #tpu.memory_space<hbm>>
      %dma_start3A_141 = tpu.memref_squeeze %dma_start3A_140 : memref<1x1x8x2048xf32, #tpu.memory_space<hbm>> -> memref<8x2048xf32, #tpu.memory_space<hbm>>
      %dma_start3A_142 = arith.constant 0 : i32
      %dma_start3A_143 = tpu.memref_slice %arg5[%dma_start3A_138, %arg1, %multiple_of3A_137, %dma_start3A_142] : memref<1x16x2048x2048xf32, #tpu.memory_space<hbm>> -> memref<1x1x8x2048xf32, #tpu.memory_space<hbm>>
      %dma_start3A_144 = tpu.memref_squeeze %dma_start3A_143 : memref<1x1x8x2048xf32, #tpu.memory_space<hbm>> -> memref<8x2048xf32, #tpu.memory_space<hbm>>
      tpu.enqueue_dma source(%arg11 : memref<8x2048xf32, #tpu.memory_space<vmem>>) target(%dma_start3A_144 : memref<8x2048xf32, #tpu.memory_space<hbm>>) target_semaphore(%arg13 : memref<!tpu.dma_semaphore, #tpu.memory_space<semaphore_mem>>)
      %scan3A_145 = arith.constant 0 : i32
      scf.yield %scan3A_145 : i32
    }
    %scan3A_13 = arith.constant 64 : i32
    %dma_wait3A = arith.constant 0 : i32
    %dma_wait3A_14 = arith.constant 0 : i32
    %dma_wait3A_15 = arith.constant 0 : i32
    %dma_wait3A_16 = arith.constant 0 : i32
    %dma_wait3A_17 = tpu.memref_slice %arg5[%dma_wait3A, %dma_wait3A_14, %dma_wait3A_15, %dma_wait3A_16] : memref<1x16x2048x2048xf32, #tpu.memory_space<hbm>> -> memref<1x1x8x2048xf32, #tpu.memory_space<hbm>>
    %dma_wait3A_18 = tpu.memref_squeeze %dma_wait3A_17 : memref<1x1x8x2048xf32, #tpu.memory_space<hbm>> -> memref<8x2048xf32, #tpu.memory_space<hbm>>
    %dma_wait3A_19 = arith.constant 0 : i32
    %dma_wait3A_20 = arith.constant 0 : i32
    %dma_wait3A_21 = tpu.memref_slice %arg5[%dma_wait3A, %dma_wait3A_14, %dma_wait3A_19, %dma_wait3A_20] : memref<1x16x2048x2048xf32, #tpu.memory_space<hbm>> -> memref<1x1x8x2048xf32, #tpu.memory_space<hbm>>
    %dma_wait3A_22 = tpu.memref_squeeze %dma_wait3A_21 : memref<1x1x8x2048xf32, #tpu.memory_space<hbm>> -> memref<8x2048xf32, #tpu.memory_space<hbm>>
    tpu.wait_dma2 semaphore(%arg12 : memref<!tpu.dma_semaphore, #tpu.memory_space<semaphore_mem>>) src(%arg10 : memref<8x2048xf32, #tpu.memory_space<vmem>>) dst(%dma_wait3A_22 : memref<8x2048xf32, #tpu.memory_space<hbm>>)
    %dma_wait3A_23 = arith.constant 0 : i32
    %dma_wait3A_24 = arith.constant 0 : i32
    %dma_wait3A_25 = arith.constant 0 : i32
    %dma_wait3A_26 = arith.constant 0 : i32
    %dma_wait3A_27 = tpu.memref_slice %arg5[%dma_wait3A_23, %dma_wait3A_24, %dma_wait3A_25, %dma_wait3A_26] : memref<1x16x2048x2048xf32, #tpu.memory_space<hbm>> -> memref<1x1x8x2048xf32, #tpu.memory_space<hbm>>
    %dma_wait3A_28 = tpu.memref_squeeze %dma_wait3A_27 : memref<1x1x8x2048xf32, #tpu.memory_space<hbm>> -> memref<8x2048xf32, #tpu.memory_space<hbm>>
    %dma_wait3A_29 = arith.constant 0 : i32
    %dma_wait3A_30 = arith.constant 0 : i32
    %dma_wait3A_31 = tpu.memref_slice %arg5[%dma_wait3A_23, %dma_wait3A_24, %dma_wait3A_29, %dma_wait3A_30] : memref<1x16x2048x2048xf32, #tpu.memory_space<hbm>> -> memref<1x1x8x2048xf32, #tpu.memory_space<hbm>>
    %dma_wait3A_32 = tpu.memref_squeeze %dma_wait3A_31 : memref<1x1x8x2048xf32, #tpu.memory_space<hbm>> -> memref<8x2048xf32, #tpu.memory_space<hbm>>
    tpu.wait_dma2 semaphore(%arg13 : memref<!tpu.dma_semaphore, #tpu.memory_space<semaphore_mem>>) src(%arg11 : memref<8x2048xf32, #tpu.memory_space<vmem>>) dst(%dma_wait3A_32 : memref<8x2048xf32, #tpu.memory_space<hbm>>)
    return
  }
}

module attributes {stable_mosaic.version = 14 : i64} {
  func.func @_gate_body(%arg0: memref<1x16x2048x64xf32, #tpu.memory_space<vmem>>, %arg1: memref<16x64xf32, #tpu.memory_space<vmem>>, %arg2: memref<16x64xf32, #tpu.memory_space<vmem>>, %arg3: memref<16xf32, #tpu.memory_space<vmem>>, %arg4: memref<16xf32, #tpu.memory_space<vmem>>) attributes {dimension_semantics = [], scalar_prefetch = 0 : i64, scratch_operands = 0 : i64, tpu.core_type = #tpu.core_type<tc>} {
    %get3A = arith.constant 0 : index
    %get3A_0 = arith.constant 0 : index
    %get3A_1 = arith.constant 0 : index
    %get3A_2 = arith.constant 0 : index
    %get3A_3 = vector.load %arg0[%get3A, %get3A_0, %get3A_1, %get3A_2] : memref<1x16x2048x64xf32, #tpu.memory_space<vmem>>, vector<1x16x2048x64xf32>
    %get3A_4 = vector.shape_cast %get3A_3 : vector<1x16x2048x64xf32> to vector<16x2048x64xf32>
    %reduce_sum3A = arith.constant dense<0.000000e+00> : vector<64xf32>
    %reduce_sum3A_5 = vector.multi_reduction <add>, %get3A_4, %reduce_sum3A [0, 1] : vector<16x2048x64xf32> to vector<64xf32>
    %div3A = arith.constant 3.276800e+04 : f32
    %div3A_6 = vector.broadcast %div3A : f32 to vector<64xf32>
    %div3A_7 = arith.divf %reduce_sum3A_5, %div3A_6 : vector<64xf32>
    %get3A_8 = arith.constant 0 : index
    %get3A_9 = arith.constant 0 : index
    %get3A_10 = vector.load %arg1[%get3A_8, %get3A_9] : memref<16x64xf32, #tpu.memory_space<vmem>>, vector<16x64xf32>
    %dot_general3A = arith.constant dense<0.000000e+00> : vector<16xf32>
    %dot_general3A_11 = tpu.matmul %get3A_10, %div3A_7, %dot_general3A {dimension_numbers = #tpu.dot_dimension_numbers<[1], [0], [0], [], [0, 0], [], []>, transpose_lhs_hint = false} : vector<16x64xf32>, vector<64xf32>, vector<16xf32> -> vector<16xf32>
    %neg3A = arith.constant 0.000000e+00 : f32
    %neg3A_12 = vector.broadcast %neg3A : f32 to vector<16xf32>
    %neg3A_13 = arith.subf %neg3A_12, %dot_general3A_11 : vector<16xf32>
    %exp3A = math.exp %neg3A_13 : vector<16xf32>
    %add3A = arith.constant 1.000000e+00 : f32
    %add3A_14 = vector.broadcast %add3A : f32 to vector<16xf32>
    %add3A_15 = arith.addf %add3A_14, %exp3A : vector<16xf32>
    %div3A_16 = arith.constant 1.000000e+00 : f32
    %div3A_17 = vector.broadcast %div3A_16 : f32 to vector<16xf32>
    %div3A_18 = arith.divf %div3A_17, %add3A_15 : vector<16xf32>
    %get3A_19 = arith.constant 0 : index
    %get3A_20 = arith.constant 0 : index
    %get3A_21 = vector.load %arg2[%get3A_19, %get3A_20] : memref<16x64xf32, #tpu.memory_space<vmem>>, vector<16x64xf32>
    %dot_general3A_22 = arith.constant dense<0.000000e+00> : vector<16xf32>
    %dot_general3A_23 = tpu.matmul %get3A_21, %div3A_7, %dot_general3A_22 {dimension_numbers = #tpu.dot_dimension_numbers<[1], [0], [0], [], [0, 0], [], []>, transpose_lhs_hint = false} : vector<16x64xf32>, vector<64xf32>, vector<16xf32> -> vector<16xf32>
    %neg3A_24 = arith.constant 0.000000e+00 : f32
    %neg3A_25 = vector.broadcast %neg3A_24 : f32 to vector<16xf32>
    %neg3A_26 = arith.subf %neg3A_25, %dot_general3A_23 : vector<16xf32>
    %exp3A_27 = math.exp %neg3A_26 : vector<16xf32>
    %add3A_28 = arith.constant 1.000000e+00 : f32
    %add3A_29 = vector.broadcast %add3A_28 : f32 to vector<16xf32>
    %add3A_30 = arith.addf %add3A_29, %exp3A_27 : vector<16xf32>
    %div3A_31 = arith.constant 1.000000e+00 : f32
    %div3A_32 = vector.broadcast %div3A_31 : f32 to vector<16xf32>
    %div3A_33 = arith.divf %div3A_32, %add3A_30 : vector<16xf32>
    %get3A_34 = arith.constant 0 : index
    %get3A_35 = vector.load %arg3[%get3A_34] : memref<16xf32, #tpu.memory_space<vmem>>, vector<16xf32>
    %mul3A = arith.mulf %div3A_33, %get3A_35 : vector<16xf32>
    %mul3A_36 = arith.mulf %mul3A, %div3A_18 : vector<16xf32>
    %add3A_37 = arith.constant 1.000000e+00 : f32
    %add3A_38 = vector.broadcast %add3A_37 : f32 to vector<16xf32>
    %add3A_39 = arith.addf %add3A_38, %mul3A_36 : vector<16xf32>
    %swap3A = arith.constant 0 : index
    %swap3A_40 = vector.load %arg4[%swap3A] : memref<16xf32, #tpu.memory_space<vmem>>, vector<16xf32>
    tpu.vector_store %arg4[%swap3A], %add3A_39 {strides = array<i32>} : memref<16xf32, #tpu.memory_space<vmem>>, vector<16xf32>,
    return
  }
}

</mosaic_0001>

<sc_bundles>
// kernel: _run.4.cloned.1.call-start
scs
__scs_entry_jumppad:
0x0: {  	(pc) =	sbr.rel $0x88, $3  }
0x1: {  	(tag) =	ssettag $0x0;
	lr =	simm.s32 $0x1  }
0x2: {  	[smem:$0x3F9B] =	sst lr;
	_ =	strace $0xD0000000  }
0x3: {  	_ = 	snop  }
0x4: {  	_ = 	snop  }
0x5: {  	_ = 	snop  }
0x6: {  	_ = 	snop  }
0x7: {  	_ = 	snop  }
__scs_overlays_trampoline_lowered:
0x8: {  	[smem:$0x3FAA] =	sst s0  }
0x9: {  	[smem:$0x3FAB] =	sst s1  }
0xa: {  	[smem:$0x3FAC] =	sst s2  }
0xb: {  	[smem:$0x3FAD] =	sst s3  }
0xc: {  	[smem:$0x3FAE] =	sst s4  }
0xd: {  	[smem:$0x3FAF] =	sst s5  }
0xe: {  	[smem:$0x3FB0] =	sst s6  }
0xf: {  	[smem:$0x3FB1] =	sst s7  }
0x10: {  	[smem:$0x3FB2] =	sst s8  }
0x11: {  	[smem:$0x3FB3] =	sst s9;
	s0 =	simm.s32 @!p0 $0x0  }
0x12: {  	s1 =	sld [smem:$0x3F99];
	s0 =	simm.s32 @p0 $0x1  }
0x13: {  	[smem:$0x3FB4] =	sst s0;
	s0 =	simm.s32 @!p1 $0x0  }
0x14: {  	s2 =	sld [smem:$0x3F98];
	s0 =	simm.s32 @p1 $0x1  }
0x15: {  	[smem:$0x3FB5] =	sst s0;
	s0 =	simm.s32 @!p2 $0x0  }
0x16: {  	s3 =	sld [smem:$0x3FDB];
	s0 =	simm.s32 @p2 $0x1  }
0x17: {  	s4 =	simm.s32 $0x1BF5;
	[smem:$0x3FB7] =	sst s0  }
0x18: {  	s0 =	sld [smem:$0x3F9A];
	_ =	swait.ge [sflag:s4], $0x0  }
0x19: {  	s7 =	sld [smem:$0x3F9B]  }
0x1a: {  	s8 =	sadd.s32 $0xFFFFE003, lr  }
0x1b: {  	s9 =	sadd.s32 $0xFFFFFEF7, lr;
	s5 =	simm.s32 $0xFFFFFFFF;
	p2 =	slt.u32 s8, $0xFFFFF086  }
0x1c: {  	p1 =	slt.u32 s9, $0xF7A;
	s5 =	simm.s32 @!p2 $0x0  }
0x1d: {  	s5 =	simm.s32 @p1 $0x1;
	p0 =	seq.s32 s7, s2  }
0x1e: {  	s7 =	smul.u32 @!p0 $0xF7A, s2;
	p2 =	seq.s32 @!p0 s5, $0x0  }
0x1f: {  	s9 =	smul.u32 $0xF7A, s1;
	s8 =	simm.s32 @!p0 $0x1BF5;
	p2 =	por !p2, p0  }
0x20: {  	[sflag:s8] =	ssyncset.s32 @!p0 $0xFFFFF086;
	s6 =	sadd.s32 @!p0 s3, s7;
	s7 =	simm.s32 @!p0 $0x108  }
0x21: {  	s3 =	sadd.s32 s3, s9;
	s6 =	sadd.s32 @!p0 $0x88, s6;
	s7 =	simm.s32 @p2 $0x1082  }
0x22: {  	[simem:s7], [sflag:s8] =	dma.local @!p0 [hbm:s6], $0xF7A  }
0x23: {  	s9 =	sor.u32 $0xD0000000, s2;
	s6 =	simm.s32 $0x108;
	_ =	swait.ge @!p0 [sflag:s8], $0x0  }
0x24: {  	s3 =	sadd.s32 $0x88, s3;
	s6 =	simm.s32 @!p1 $0x1082;
	[sflag:s4] =	ssyncset.s32 $0xFFFFF086  }
0x25: {  	[simem:s6], [sflag:s4] =	dma.local [hbm:s3], $0xF7A  }
0x26: {  	[smem:$0x3F9B] =	sst s1;
	(tag) =	ssettag s2;
	_ =	strace s9  }
0x27: {  	s1 =	sld [smem:$0x3FAB]  }
0x28: {  	s2 =	sld [smem:$0x3FAC]  }
0x29: {  	s4 =	sld [smem:$0x3FAE]  }
0x2a: {  	p0 =	seq.s32 s5, $0x0;
	s5 =	sld [smem:$0x3FAF]  }
0x2b: {  	s6 =	sld [smem:$0x3FB0]  }
0x2c: {  	s7 =	sld [smem:$0x3FB1]  }
0x2d: {  	s3 =	simm.s32 $0x108;
	s8 =	sld [smem:$0x3FB2]  }
0x2e: {  	s3 =	simm.s32 @!p0 $0x1082;
	s9 =	sld [smem:$0x3FB3]  }
0x2f: {  	lr =	sadd.s32 s0, s3;
	s0 =	sld [smem:$0x3FAA]  }
0x30: {  	s3 =	sld [smem:$0x3FAD]  }
0x31: {  	[smem:$0x3FB6] =	sst s10  }
0x32: {  	s10 =	sld [smem:$0x3FB4];
	_ =	sdelay $0x3  }
0x33: {  	p0 =	seq.s32 s10, $0x1;
	s10 =	sld [smem:$0x3FB6];
	_ =	sdelay $0x3  }
0x34: {  	[smem:$0x3FB6] =	sst s10  }
0x35: {  	s10 =	sld [smem:$0x3FB5];
	_ =	sdelay $0x3  }
0x36: {  	p1 =	seq.s32 s10, $0x1;
	s10 =	sld [smem:$0x3FB6];
	_ =	sdelay $0x3  }
0x37: {  	[smem:$0x3FB6] =	sst s10  }
0x38: {  	s10 =	sld [smem:$0x3FB7]  }
0x39: {  	_ = 	snop;
	(pc) =	sbr.ind lr, $3  }
0x3a: {  	_ = 	snop  }
0x3b: {  	_ = 	snop  }
0x3c: {  	p2 =	seq.s32 s10, $0x1;
	s10 =	sld [smem:$0x3FB6]  }
0x3d: {  	_ =	shalt  }
0x3e: {  	_ =	shalt  }
0x3f: {  	_ =	shalt  }
0x40: {  	_ =	shalt  }
0x41: {  	_ =	shalt  }
0x42: {  	_ =	shalt  }
0x43: {  	_ =	shalt  }
0x44: {  	_ =	shalt  }
0x45: {  	_ =	shalt  }
0x46: {  	_ =	shalt  }
0x47: {  	_ =	shalt  }
0x48: {  	_ =	shalt  }
0x49: {  	_ =	shalt  }
0x4a: {  	_ =	shalt  }
0x4b: {  	_ =	shalt  }
0x4c: {  	_ =	shalt  }
0x4d: {  	_ =	shalt  }
0x4e: {  	_ =	shalt  }
0x4f: {  	_ =	shalt  }
0x50: {  	_ =	shalt  }
0x51: {  	_ =	shalt  }
0x52: {  	_ =	shalt  }
0x53: {  	_ =	shalt  }
0x54: {  	_ =	shalt  }
0x55: {  	_ =	shalt  }
0x56: {  	_ =	shalt  }
0x57: {  	_ =	shalt  }
0x58: {  	_ =	shalt  }
0x59: {  	_ =	shalt  }
0x5a: {  	_ =	shalt  }
0x5b: {  	_ =	shalt  }
0x5c: {  	_ =	shalt  }
0x5d: {  	_ =	shalt  }
0x5e: {  	_ =	shalt  }
0x5f: {  	_ =	shalt  }
0x60: {  	_ =	shalt  }
0x61: {  	_ =	shalt  }
0x62: {  	_ =	shalt  }
0x63: {  	_ =	shalt  }
0x64: {  	_ =	shalt  }
0x65: {  	_ =	shalt  }
0x66: {  	_ =	shalt  }
0x67: {  	_ =	shalt  }
0x68: {  	_ =	shalt  }
0x69: {  	_ =	shalt  }
0x6a: {  	_ =	shalt  }
0x6b: {  	_ =	shalt  }
0x6c: {  	_ =	shalt  }
0x6d: {  	_ =	shalt  }
0x6e: {  	_ =	shalt  }
0x6f: {  	_ =	shalt  }
0x70: {  	_ =	shalt  }
0x71: {  	_ =	shalt  }
0x72: {  	_ =	shalt  }
0x73: {  	_ =	shalt  }
0x74: {  	_ =	shalt  }
0x75: {  	_ =	shalt  }
0x76: {  	_ =	shalt  }
0x77: {  	_ =	shalt  }
0x78: {  	_ =	shalt  }
0x79: {  	_ =	shalt  }
0x7a: {  	_ =	shalt  }
0x7b: {  	_ =	shalt  }
0x7c: {  	_ =	shalt  }
0x7d: {  	_ =	shalt  }
0x7e: {  	_ =	shalt  }
0x7f: {  	_ =	shalt  }
0x80: {  	_ =	shalt  }
0x81: {  	_ =	shalt  }
0x82: {  	_ =	shalt  }
0x83: {  	_ =	shalt  }
0x84: {  	_ =	shalt  }
0x85: {  	_ =	shalt  }
0x86: {  	_ =	shalt  }
0x87: {  	_ =	shalt  }
.Lfunc_end0:
.L_simem_size_0:
called_computation_lowered:
.L_overlay_start_0:
0x88: {  	s2 =	sld [smem:$0x3FD9]  }
0x89: {  	s3 =	sld [smem:$0x3FFE];
	_ =	sdelay $0x1  }
0x8a: {  	s1 =	srdreg.scid  }
0x8b: {  	s0 =	sand.u32 $0x1, s1  }
0x8c: {  	s17 =	sshll.u32 s0, $0xA;
	s2 =	sadd.s32 s3, s2  }
0x8d: {  	s2 =	sadd.s32 s2, s17  }
0x8e: {  	[smem:$0x3FC2] =	sst s2  }
0x8f: {  	_ = 	snop  }
0x90: {  	s2 =	sld [smem:$0x3FC8]  }
0x91: {  	s18 =	sld [smem:$0x3FC4]  }
0x92: {  	s4 =	sld [smem:$0x3FD0];
	(tm) =	ssettm $0x1  }
0x93: {  	s5 =	sld [smem:$0x3FFB];
	_ =	sdelay $0x3  }
0x94: {  	_ =	strace s5  }
0x95: {  	s5 =	sld [smem:$0x3FFC];
	_ =	sdelay $0x3  }
0x96: {  	_ =	strace s5  }
0x97: {  	s5 =	sld [smem:$0x3FFD];
	_ =	sdelay $0x3  }
0x98: {  	_ =	strace s5  }
0x99: {  	_ =	strace $0x8FFFFFFF  }
0x9a: {  	s19 =	sld [smem:$0x3FDB];
	_ =	sdelay $0x1  }
0x9b: {  	s6 =	simm.s32 $_scs_section_size  }
0x9c: {  	s7 =	simm.s32 $_size__tile_overlayer_lowered;
	s8 =	simm.s32 $_tile_overlayer_lowered  }
0x9d: {  	s22 =	simm.s32 $0x1BFF;
	s21 =	sshll.u32 s8, $0x1;
	s5 =	sadd.s32 s6, s19  }
0x9e: {  	s9 =	simm.s32 $0x0;
	s20 =	sshll.u32 s7, $0x1;
	s7 =	sadd.s32 s21, s5  }
0x9f: {  	[timem:s9], [sflag:s22] =	dma.local [hbm:s7], s20  }
0xa0: {  	_ =	swait.ge [sflag:s22], s20  }
0xa1: {  	s6 =	ssub.s32 $0x0, s20;
	[sflag:s22] =	ssyncset.done $0x0  }
0xa2: {  	[sflag:s22] =	ssyncadd.s32 s6;
	_ =	sdelay $0x1  }
0xa3: {  	s23 =	simm.s32 $0x1B8B  }
0xa4: {  	_ =	swait.ge [sflag:s23], $0x1  }
0xa5: {  	[sflag:s23] =	ssyncset.done $0x0  }
0xa6: {  	s25 =	simm.s32 $0x1B8E;
	s24 =	sld [smem:$0x3FFE];
	[sflag:s23] =	ssyncadd.s32 $0xFFFFFFFF  }
0xa7: {  	s26 =	simm.s32 $execute0_lowered;
	[smem:$0x3FD2] =	sst s25  }
0xa8: {  	s7 =	sshll.u32 s26, $0x1;
	_ =	strace $0x80000046;
	[dreg:$0x1] =	wrdreg $0xFFFFFFFF  }
0xa9: {  	s28 =	simm.s32 $_size_execute0_lowered;
	s5 =	sadd.s32 s5, s7;
	[dreg:$0x0] =	wrdreg $0x0  }
0xaa: {  	s7 =	sshll.u32 s28, $0x1;
	[dreg:$0x2] =	wrdreg s5  }
0xab: {  	[dreg:$0x3] =	wrdreg s7  }
0xac: {  	[dreg:$0x4] =	wrdreg $0xC0  }
0xad: {  	_ =	task [dreg:s9], $0x5FFFF  }
0xae: {  	[dreg:$0x1] =	wrdreg $0xFFFFFFFF  }
0xaf: {  	[dreg:$0x0] =	wrdreg $0x60  }
0xb0: {  	[dreg:$0x2] =	wrdreg s2  }
0xb1: {  	[dreg:$0x3] =	wrdreg s18  }
0xb2: {  	[dreg:$0x4] =	wrdreg s24  }
0xb3: {  	[dreg:$0x5] =	wrdreg s4  }
0xb4: {  	[dreg:$0x6] =	wrdreg $0x9  }
0xb5: {  	_ =	task.clear_ibuf [dreg:s9], $0x7FFFF;
	_ =	strace $0x90000046  }
0xb6: {  	s29 =	simm.s32 $0x9;
	_ =	strace $0x80000048  }
0xb7: {  	_ =	swait.ge [sflag:s29], $0x1  }
0xb8: {  	[sflag:s29] =	ssyncadd.s32 $0xFFFFFFFF  }
0xb9: {  	_ =	strace $0x90000048  }
0xba: {  	_ =	sfence  }
0xbb: {  	s30 =	sld [smem:$0x0];
	_ =	sdelay $0x2  }
0xbc: {  	s31 =	sshll.u32 s1, $0xD;
	s1 =	sshrl.u32 s1, $0x2  }
0xbd: {  	s3 =	sand.u32 $0x4000, s31;
	s1 =	sadd.s32 s1, s30  }
0xbe: {  	s0 =	sor.u32 s3, s0;
	s1 =	sshll.u32 s1, $0x11  }
0xbf: {  	s0 =	sor.u32 s1, s0  }
0xc0: {  	s0 =	sadd.s32 $0x8F2B, s0  }
0xc1: {  	[sflag:s0] =	ssyncadd.remote.s32 $0x1  }
0xc2: {  	_ =	sfence.sel $0xFFFF  }
0xc3: {  	[dreg:$0x0] =	wrdreg $0xFFFFFFFF;
	(pc) =	sbr.abs _section_cstart, $3  }
0xc4: {  	[dreg:$0x1] =	wrdreg $0xFFFFFFFF  }
0xc5: {  	_ =	task.clear_ibuf [dreg:s9], $0x2FFFF;
	_ =	strace $0x9FFFFFFF  }
0xc6: {  	(tm) =	ssettm $0x7FFFFFFF  }
0xc7: {  	_ =	shalt  }
tec
execute0_lowered:
.L_overlay_start_1:
0x0: {  	(tag) =	ssettag $0x1  }
0x1: {  	s1 =	rddreg [dreg:$0x0]  }
0x2: {  	s2 =	rddreg [dreg:$0x1]  }
0x3: {  	s6 =	rddreg [dreg:$0x2]  }
0x4: {  	s3 =	rddreg [dreg:$0x3];
	s5 =	srdreg.scid  }
0x5: {  	s0 =	rddreg [dreg:$0x4];
	s4 =	simm.s32 $0x0;
	s11 =	simm.s32 $0x3  }
0x6: {  	s12 =	simm.s32 $0x1400;
	s13 =	simm.s32 $0x2480;
	s14 =	simm.s32 $0x2500  }
0x7: {  	s15 =	simm.s32 $0x3580;
	s16 =	simm.s32 $0x7580;
	s17 =	simm.s32 $0x1  }
0x8: {  	s18 =	simm.s32 $0x2;
	s19 =	simm.s32 $0x0;
	s8 =	sand.u32 $0x1, s5  }
0x9: {  	v0 =	vlaneseq.u32;
	s20 =	simm.s32 $0x0;
	[smem:$0x7FF] =	sst s4;
	s7 =	ssub.s32 $0x2, s8  }
0xa: {  	s5 =	stileid.u32;
	s6 =	sadd.s32 $0xC00, s6;
	v2 =	vadd.s32 $0xFFFFFFFF, v0;
	v3 =	vadd.s32 $0xFFFFFFFE, v0;
	s9 =	sshrl.u32 s7, $0x1  }
0xb: {  	v4 =	vadd.s32 $0xFFFFFFFD, v0;
	v5 =	vadd.s32 $0xFFFFFFFC, v0;
	v6 =	vadd.s32 $0xFFFFFFFB, v0;
	_ =	strace $0x80000047;
	s10 =	ssub.s32 s7, s9;
	s7 =	sshll.u32 s5, $0x16  }
0xc: {  	v7 =	vadd.s32 $0xFFFFFFFA, v0;
	v8 =	vadd.s32 $0xFFFFFFF9, v0;
	s8 =	sshll.u32 s8, $0xA;
	v1 =	vmov s5;
	s9 =	sor.u32 $0x4000, s7;
	s10 =	smax.u32 s10, $0x1  }
.LBB2_1:
0xd: {  	[tilespmem:s4], [sflag:$0x3] =	stream.linear.gather [hbm4b:s1+s4], $0x1400, $0x38;
	[tilespmem:$0xB580] =	vst v63  }
0xe: {  	_ =	swait.ge [sflag:s11], $0x1400  }
0xf: {  	[sflag:s11] =	ssyncset.done $0x0  }
0x10: {  	[sflag:s11] =	ssyncadd.s32 $0xFFFFEC00  }
0x11: {  	[tilespmem:s12], [sflag:$0x3] =	stream.linear.gather [hbm4b:s2+s4], $0x1080, $0x38;
	[tilespmem:$0xB580] =	vst v63  }
0x12: {  	_ =	swait.ge [sflag:s11], $0x1080  }
0x13: {  	[sflag:s11] =	ssyncset.done $0x0  }
0x14: {  	[sflag:s11] =	ssyncadd.s32 $0xFFFFEF80  }
0x15: {  	[tilespmem:s13], [sflag:$0x3] =	stream.linear.gather [hbm4b:s6+s4], $0x80, $0x38;
	[tilespmem:$0xB580] =	vst v63  }
0x16: {  	_ =	swait.ge [sflag:s11], $0x80  }
0x17: {  	[sflag:s11] =	ssyncset.done $0x0  }
0x18: {  	s21 =	simm.s32 $0x0;
	[sflag:s11] =	ssyncadd.s32 $0xFFFFFF80  }
0x19: {  	v9 =	vld [tilespmem:s21+$0x1400];
	_ =	sdelay $0x4  }
0x1a: {  	v9 =	vshll.u32 v9, $0x4  }
0x1b: {  	v10 =	vor.u32 v1, v9  }
0x1c: {  	s22 =	simm.s32 $0x10  }
0x1d: {  	v11 =	vld [tilespmem:s22+$0x1400];
	_ =	sdelay $0x1  }
0x1e: {  	v9 =	vld.idx.msk [tilespmem:v1+s13+$0x0], $0xffff  }
0x1f: {  	v12 =	vld.idx.msk [tilespmem:v10+s4+$0x0], $0xffff;
	_ =	sdelay $0x1  }
0x20: {  	v10 =	vshll.u32 v11, $0x4  }
0x21: {  	v10 =	vor.u32 v1, v10;
	_ =	sdelay $0x1  }
0x22: {  	s23 =	simm.s32 $0x20;
	s24 =	simm.s32 $0xC0;
	v11 =	vmul.f32 v12, v9  }
.LBB2_2:
0x23: {  	p0 =	sne.s32 s24, $0x3FC0;
	v12 =	vld [tilespmem:s23+$0x1400]  }
0x24: {  	[tilespmem:s21+$0x2500] =	vst v11;
	s21 =	smov.u32 s22;
	s22 =	smov.u32 s23  }
0x25: {  	v11 =	vld.idx.msk [tilespmem:v10+s20+$0x0], $0xffff;
	_ =	sdelay $0x1  }
.Ltmp0:
0x26: {  	(pc) =	sbr.rel @p0 .LBB2_2-.Ltmp0, $3  }
0x27: {  	v10 =	vshll.u32 v12, $0x4  }
0x28: {  	v10 =	vor.u32 v1, v10;
	_ =	sdelay $0x1  }
0x29: {  	s23 =	sshra.s32 s24, $0x2;
	s24 =	sadd.s32 $0x40, s24;
	v11 =	vmul.f32 v11, v9  }
0x2a: {  	_ = 	snop  }
0x2b: {  	v12 =	vld [tilespmem:s23+$0x1400];
	_ =	sdelay $0x1  }
0x2c: {  	[tilespmem:s21+$0x2500] =	vst v11  }
0x2d: {  	v10 =	vld.idx.msk [tilespmem:v10+s20+$0x0], $0xffff;
	_ =	sdelay $0x1  }
0x2e: {  	v11 =	vshll.u32 v12, $0x4  }
0x2f: {  	v11 =	vor.u32 v1, v11;
	_ =	sdelay $0x1  }
0x30: {  	v10 =	vmul.f32 v10, v9;
	_ =	sdelay $0x1  }
0x31: {  	[tilespmem:s22+$0x2500] =	vst v10  }
0x32: {  	v10 =	vld.idx.msk [tilespmem:v11+s20+$0x0], $0xffff;
	_ =	sdelay $0x4  }
0x33: {  	v9 =	vmul.f32 v10, v9;
	_ =	sdelay $0x1  }
0x34: {  	s21 =	simm.s32 $0x0;
	[tilespmem:s23+$0x2500] =	vst v9  }
.LBB2_4:
0x35: {  	s22 =	sshll.u32 s21, $0x4  }
0x36: {  	s22 =	sadd.s32 s8, s22  }
0x37: {  	s23 =	sxor.u32 $0x7FF, s22  }
0x38: {  	p0 =	seq.s32 s21, $0x0;
	v22 =	vadd.s32 s23, v0  }
0x39: {  	s24 =	simm.s32 @!p0 $0x1;
	v20 =	vadd.s32 s23, v2  }
0x3a: {  	_ =	swait.ge @!p0 [sflag:s24], $0x4000;
	v19 =	vadd.s32 s23, v3  }
0x3b: {  	[sflag:s24] =	ssyncset.done @!p0 $0x0;
	v18 =	vadd.s32 s23, v4  }
0x3c: {  	v9 =	vadd.s32 s23, v5;
	[sflag:s24] =	ssyncadd.s32 @!p0 $0xFFFFC000  }
0x3d: {  	v13 =	vadd.s32 s23, v6;
	v30 =	vld.idx.msk [tilespmem:v22+s14+$0x0], $0xffff  }
0x3e: {  	v17 =	vadd.s32 s23, v7;
	v31 =	vld.idx.msk [tilespmem:v20+s14+$0x0], $0xffff  }
0x3f: {  	v21 =	vadd.s32 s23, v8;
	v32 =	vld.idx.msk [tilespmem:v19+s14+$0x0], $0xffff  }
0x40: {  	v14 =	vadd.s32 $0x10, v21;
	v11 =	vld.idx.msk [tilespmem:v18+s14+$0x0], $0xffff  }
0x41: {  	v15 =	vadd.s32 $0x10, v17;
	v12 =	vld.idx.msk [tilespmem:v9+s14+$0x0], $0xffff  }
0x42: {  	v16 =	vadd.s32 $0x10, v13;
	v10 =	vld.idx.msk [tilespmem:v13+s14+$0x0], $0xffff  }
0x43: {  	v13 =	vld.idx.msk [tilespmem:v17+s14+$0x0], $0xffff;
	v17 =	vadd.s32 $0x10, v9  }
0x44: {  	v9 =	vld.idx.msk [tilespmem:v21+s14+$0x0], $0xffff;
	v18 =	vadd.s32 $0x10, v18  }
0x45: {  	v19 =	vadd.s32 $0x10, v19;
	v21 =	vld.idx.msk [tilespmem:v14+s14+$0x0], $0xffff  }
0x46: {  	v20 =	vadd.s32 $0x10, v20;
	v23 =	vld.idx.msk [tilespmem:v15+s14+$0x0], $0xffff  }
0x47: {  	v22 =	vadd.s32 $0x10, v22;
	v25 =	vld.idx.msk [tilespmem:v16+s14+$0x0], $0xffff  }
0x48: {  	v26 =	vld.idx.msk [tilespmem:v17+s14+$0x0], $0xffff  }
0x49: {  	p1 =	por $0x1, $0x1;
	v27 =	vld.idx.msk [tilespmem:v18+s14+$0x0], $0xffff  }
.Ltmp1:
0x4a: {  	s30 =	sand.u32 $0x70, s20;
	s31 =	sand.u32 $0x3C00, s20;
	v28 =	vld.idx.msk [tilespmem:v19+s14+$0x0], $0xffff;
	(pc) =	sbr.rel @!p1 .LBB2_6-.Ltmp1, $4  }
0x4b: {  	s26 =	sor.u32 s30, s31;
	v29 =	vld.idx.msk [tilespmem:v20+s14+$0x0], $0xffff  }
0x4c: {  	v24 =	vld.idx.msk [tilespmem:v22+s14+$0x0], $0xffff;
	[tilespmem:s26+$0x3580] =	vst v30  }
0x4d: {  	[tilespmem:s26+$0x3600] =	vst v31  }
0x4e: {  	s25 =	simm.s32 $0x10;
	s23 =	simm.s32 $0x0;
	s24 =	simm.s32 $0x0;
	[tilespmem:s26+$0x3680] =	vst v32  }
.LBB2_5:
0x4f: {  	v14 =	vadd.s32 $0x10, v14;
	p1 =	sne.s32 s25, $0x7F0;
	s28 =	sand.u32 $0x7, s23;
	[tilespmem:s26+$0x3700] =	vst v11;
	v11 =	vmov v27;
	v30 =	vmov v28  }
0x50: {  	v15 =	vadd.s32 $0x10, v15;
	s28 =	sshll.u32 s28, $0x4;
	[tilespmem:s26+$0x3780] =	vst v12;
	v12 =	vmov v26;
	v31 =	vmov v29  }
0x51: {  	v16 =	vadd.s32 $0x10, v16;
	s28 =	sadd.s32 s28, s24;
	[tilespmem:s26+$0x3800] =	vst v10;
	v10 =	vmov v25  }
0x52: {  	v17 =	vadd.s32 $0x10, v17;
	[tilespmem:s26+$0x3880] =	vst v13;
	s26 =	sor.u32 $0x380, s28;
	v13 =	vmov v23  }
0x53: {  	v18 =	vadd.s32 $0x10, v18;
	[tilespmem:s26+$0x3580] =	vst v9;
	v9 =	vmov v21  }
0x54: {  	v19 =	vadd.s32 $0x10, v19;
	v21 =	vld.idx.msk [tilespmem:v14+s14+$0x0], $0xffff  }
0x55: {  	v20 =	vadd.s32 $0x10, v20;
	v23 =	vld.idx.msk [tilespmem:v15+s14+$0x0], $0xffff  }
0x56: {  	v22 =	vadd.s32 $0x10, v22;
	v25 =	vld.idx.msk [tilespmem:v16+s14+$0x0], $0xffff  }
0x57: {  	v26 =	vld.idx.msk [tilespmem:v17+s14+$0x0], $0xffff  }
0x58: {  	s24 =	sadd.s32 $0x80, s24;
	v27 =	vld.idx.msk [tilespmem:v18+s14+$0x0], $0xffff  }
.Ltmp2:
0x59: {  	s28 =	sand.u32 $0x3C00, s24;
	s26 =	sand.u32 $0x70, s25;
	v28 =	vld.idx.msk [tilespmem:v19+s14+$0x0], $0xffff;
	(pc) =	sbr.rel @p1 .LBB2_5-.Ltmp2, $4  }
0x5a: {  	s26 =	sor.u32 s26, s28;
	v29 =	vld.idx.msk [tilespmem:v20+s14+$0x0], $0xffff  }
0x5b: {  	[tilespmem:s26+$0x3580] =	vst v24;
	v24 =	vld.idx.msk [tilespmem:v22+s14+$0x0], $0xffff  }
0x5c: {  	[tilespmem:s26+$0x3600] =	vst v31  }
0x5d: {  	s23 =	sadd.s32 $0x1, s23;
	s25 =	sadd.s32 $0x10, s25;
	[tilespmem:s26+$0x3680] =	vst v30  }
.LBB2_6:
0x5e: {  	s23 =	sand.u32 $0x7, s23;
	[tilespmem:s26+$0x3700] =	vst v11  }
0x5f: {  	[tilespmem:s26+$0x3780] =	vst v12;
	s25 =	sshll.u32 s23, $0x4;
	s23 =	sshll.u32 s22, $0xB  }
0x60: {  	[tilespmem:s26+$0x3800] =	vst v10;
	s24 =	sadd.s32 s25, s24;
	s31 =	sor.u32 s7, s23  }
0x61: {  	[tilespmem:s26+$0x3880] =	vst v13;
	s29 =	ssub.s32 $0x7F7, s22;
	s24 =	sor.u32 $0x380, s24;
	s25 =	sshrl.u32 s31, $0x3  }
0x62: {  	v22 =	vadd.s32 s29, v0;
	[tilespmem:s24+$0x3580] =	vst v9;
	s28 =	sadd.s32 s3, s25;
	s24 =	simm.s32 @!p0 $0x2  }
0x63: {  	v20 =	vadd.s32 s29, v2;
	[hbm4b:s28+s4] =	stream.linear.scatter [tilespmem:s15], [sflag:$0x1], $0x4000, $0x38;
	[tilespmem:$0xB580] =	vst v63  }
0x64: {  	v19 =	vadd.s32 s29, v3;
	_ =	swait.ge @!p0 [sflag:s24], $0x4000  }
0x65: {  	v18 =	vadd.s32 s29, v4;
	[sflag:s24] =	ssyncset.done @!p0 $0x0  }
0x66: {  	v9 =	vadd.s32 s29, v5;
	[sflag:s24] =	ssyncadd.s32 @!p0 $0xFFFFC000  }
0x67: {  	v13 =	vadd.s32 s29, v6;
	v30 =	vld.idx.msk [tilespmem:v22+s14+$0x0], $0xffff  }
0x68: {  	v17 =	vadd.s32 s29, v7;
	v31 =	vld.idx.msk [tilespmem:v20+s14+$0x0], $0xffff  }
0x69: {  	v21 =	vadd.s32 s29, v8;
	v32 =	vld.idx.msk [tilespmem:v19+s14+$0x0], $0xffff  }
0x6a: {  	v14 =	vadd.s32 $0x10, v21;
	v10 =	vld.idx.msk [tilespmem:v18+s14+$0x0], $0xffff  }
0x6b: {  	v15 =	vadd.s32 $0x10, v17;
	v11 =	vld.idx.msk [tilespmem:v9+s14+$0x0], $0xffff  }
0x6c: {  	v16 =	vadd.s32 $0x10, v13;
	v12 =	vld.idx.msk [tilespmem:v13+s14+$0x0], $0xffff  }
0x6d: {  	v13 =	vld.idx.msk [tilespmem:v17+s14+$0x0], $0xffff;
	v17 =	vadd.s32 $0x10, v9  }
0x6e: {  	v9 =	vld.idx.msk [tilespmem:v21+s14+$0x0], $0xffff;
	v18 =	vadd.s32 $0x10, v18  }
0x6f: {  	v19 =	vadd.s32 $0x10, v19;
	v21 =	vld.idx.msk [tilespmem:v14+s14+$0x0], $0xffff  }
0x70: {  	v20 =	vadd.s32 $0x10, v20;
	v23 =	vld.idx.msk [tilespmem:v15+s14+$0x0], $0xffff  }
0x71: {  	v22 =	vadd.s32 $0x10, v22;
	v25 =	vld.idx.msk [tilespmem:v16+s14+$0x0], $0xffff  }
0x72: {  	v26 =	vld.idx.msk [tilespmem:v17+s14+$0x0], $0xffff  }
0x73: {  	s22 =	simm.s32 $0x0;
	v27 =	vld.idx.msk [tilespmem:v18+s14+$0x0], $0xffff  }
0x74: {  	s30 =	sand.u32 $0x70, s22;
	s31 =	sand.u32 $0x3C00, s22;
	v28 =	vld.idx.msk [tilespmem:v19+s14+$0x0], $0xffff  }
0x75: {  	s26 =	sor.u32 s30, s31;
	v29 =	vld.idx.msk [tilespmem:v20+s14+$0x0], $0xffff  }
0x76: {  	v24 =	vld.idx.msk [tilespmem:v22+s14+$0x0], $0xffff;
	[tilespmem:s26+$0x7580] =	vst v30  }
0x77: {  	[tilespmem:s26+$0x7600] =	vst v31  }
0x78: {  	s25 =	simm.s32 $0x10;
	s24 =	simm.s32 $0x0;
	[tilespmem:s26+$0x7680] =	vst v32  }
.LBB2_7:
0x79: {  	v14 =	vadd.s32 $0x10, v14;
	p0 =	sne.s32 s25, $0x7F0;
	s28 =	sand.u32 $0x7, s22;
	[tilespmem:s26+$0x7700] =	vst v10;
	v10 =	vmov v27;
	v30 =	vmov v28  }
0x7a: {  	v15 =	vadd.s32 $0x10, v15;
	s28 =	sshll.u32 s28, $0x4;
	[tilespmem:s26+$0x7780] =	vst v11;
	v11 =	vmov v26;
	v31 =	vmov v29  }
0x7b: {  	v16 =	vadd.s32 $0x10, v16;
	s28 =	sadd.s32 s28, s24;
	[tilespmem:s26+$0x7800] =	vst v12;
	v12 =	vmov v25  }
0x7c: {  	v17 =	vadd.s32 $0x10, v17;
	[tilespmem:s26+$0x7880] =	vst v13;
	s26 =	sor.u32 $0x380, s28;
	v13 =	vmov v23  }
0x7d: {  	v18 =	vadd.s32 $0x10, v18;
	[tilespmem:s26+$0x7580] =	vst v9;
	v9 =	vmov v21  }
0x7e: {  	v19 =	vadd.s32 $0x10, v19;
	v21 =	vld.idx.msk [tilespmem:v14+s14+$0x0], $0xffff  }
0x7f: {  	v20 =	vadd.s32 $0x10, v20;
	v23 =	vld.idx.msk [tilespmem:v15+s14+$0x0], $0xffff  }
0x80: {  	v22 =	vadd.s32 $0x10, v22;
	v25 =	vld.idx.msk [tilespmem:v16+s14+$0x0], $0xffff  }
0x81: {  	v26 =	vld.idx.msk [tilespmem:v17+s14+$0x0], $0xffff  }
0x82: {  	s24 =	sadd.s32 $0x80, s24;
	v27 =	vld.idx.msk [tilespmem:v18+s14+$0x0], $0xffff  }
.Ltmp3:
0x83: {  	s28 =	sand.u32 $0x3C00, s24;
	s26 =	sand.u32 $0x70, s25;
	v28 =	vld.idx.msk [tilespmem:v19+s14+$0x0], $0xffff;
	(pc) =	sbr.rel @p0 .LBB2_7-.Ltmp3, $4  }
0x84: {  	s26 =	sor.u32 s26, s28;
	v29 =	vld.idx.msk [tilespmem:v20+s14+$0x0], $0xffff  }
0x85: {  	[tilespmem:s26+$0x7580] =	vst v24;
	v24 =	vld.idx.msk [tilespmem:v22+s14+$0x0], $0xffff  }
0x86: {  	[tilespmem:s26+$0x7600] =	vst v31  }
0x87: {  	s22 =	sadd.s32 $0x1, s22;
	s25 =	sadd.s32 $0x10, s25;
	[tilespmem:s26+$0x7680] =	vst v30  }
0x88: {  	s21 =	sadd.s32 $0x1, s21  }
0x89: {  	s22 =	sand.u32 $0x7, s22;
	[tilespmem:s26+$0x7700] =	vst v10;
	p0 =	sne.s32 s21, $0x40  }
.Ltmp4:
0x8a: {  	[tilespmem:s26+$0x7780] =	vst v11;
	s22 =	sshll.u32 s22, $0x4;
	(pc) =	sbr.rel @p0 .LBB2_4-.Ltmp4, $4  }
0x8b: {  	[tilespmem:s26+$0x7800] =	vst v12;
	s23 =	sor.u32 s9, s23;
	s22 =	sadd.s32 s22, s24  }
0x8c: {  	[tilespmem:s26+$0x7880] =	vst v13;
	s23 =	sshrl.u32 s23, $0x3;
	s22 =	sor.u32 $0x380, s22  }
0x8d: {  	s31 =	sadd.s32 s3, s23;
	[tilespmem:s22+$0x7580] =	vst v9  }
0x8e: {  	[hbm4b:s31+s4] =	stream.linear.scatter [tilespmem:s16], [sflag:$0x2], $0x4000, $0x38;
	[tilespmem:$0xB580] =	vst v63  }
0x8f: {  	s19 =	sadd.s32 $0x1, s19  }
0x90: {  	_ =	swait.ge [sflag:s17], $0x4000;
	p0 =	sne.s32 s19, s10  }
.Ltmp5:
0x91: {  	[sflag:s17] =	ssyncset.done $0x0;
	(pc) =	sbr.rel @p0 .LBB2_1-.Ltmp5, $4  }
0x92: {  	[sflag:s17] =	ssyncadd.s32 $0xFFFFC000  }
0x93: {  	_ =	swait.ge [sflag:s18], $0x4000  }
0x94: {  	[sflag:s18] =	ssyncset.done $0x0  }
0x95: {  	[sflag:s18] =	ssyncadd.s32 $0xFFFFC000  }
0x96: {  	_ =	sfence.sel $0x180000  }
0x97: {  	[bflag:$0x0] =	sbarrier.arrive $0xFFFF  }
0x98: {  	p0 =	sne.s32 s5, $0x0;
	_ =	strace $0x90000047  }
0x99: {  	s0 =	sadd.s32 @!p0 $0x100000, s0;
	[bflag:$0x2] =	sbarrier.arrive $0xFFFF  }
0x9a: {  	[sflag:s0] =	ssyncadd.tile.s32 @!p0 $0x1;
	_ =	shalt  }
.Lfunc_end2:
_tile_overlayer_lowered:
.L_overlay_start_2:
0x9b: {  	(tag) =	ssettag $0x2  }
0x9c: {  	s0 =	rddreg [dreg:$0x0];
	s2 =	stileid.u32  }
0x9d: {  	s1 =	rddreg [dreg:$0x1];
	p0 =	sne.s32 s2, $0x0  }
0x9e: {  	s3 =	rddreg [dreg:$0x2];
	[bflag:$0x3] =	sbarrier.arrive $0xFFFF;
	s2 =	simm.s32 @!p0 $0x1C03  }
0x9f: {  	[timem:s3], [sflag:s2] =	dma.local @!p0 [hbm:s0], s1  }
0xa0: {  	s0 =	simm.s32 @!p0 $0x3  }
0xa1: {  	_ =	swait.ge @!p0 [sflag:s0], s1  }
0xa2: {  	s1 =	ssub.s32 @!p0 $0x0, s1;
	[sflag:s0] =	ssyncset.done @!p0 $0x0  }
0xa3: {  	[sflag:s0] =	ssyncadd.s32 @!p0 s1  }
0xa4: {  	[bflag:$0x3] =	sbarrier.arrive $0xFFFF  }
0xa5: {  	_ =	shalt  }

</sc_bundles>
